<compile_context>
chip_gen: v7x
topology: tpu7x:2x2x1
jax: 0.10.2.dev20260603
libtpu: 0.0.44.dev20260713+nightly
codegen_flags: <defaults>
</compile_context>

<pallas_src>
import functools

import jax
import jax.numpy as jnp
from jax import lax
from jax.experimental import pallas as pl
from jax.experimental.pallas import tpu as pltpu
from jax.experimental.pallas import tpu_sc as plsc

N_NODES = 100000
N_PAD = 100352
N_EDGES = 6400000

NC = 2
NS = 16
NW = NC * NS

E1 = N_EDGES // NS
CB1 = 3200
NCH1 = E1 // CB1

E3 = N_EDGES // NW
CB3 = 1600
NCH3 = E3 // CB3

_mesh = plsc.VectorSubcoreMesh(core_axis_name="c", subcore_axis_name="s")


@functools.partial(
    pl.kernel,
    out_type=jax.ShapeDtypeStruct((NW * N_PAD,), jnp.float32),
    mesh=_mesh,
    compiler_params=pltpu.CompilerParams(needs_layout_passes=False),
    scratch_types=[
        pltpu.VMEM((N_PAD,), jnp.float32),
        pltpu.VMEM((CB1,), jnp.int32),
        pltpu.VMEM((CB1,), jnp.int32),
        pltpu.VMEM((CB1,), jnp.float32),
        pltpu.VMEM((CB1,), jnp.float32),
        pltpu.SemaphoreType.DMA,
        pltpu.SemaphoreType.DMA,
        pltpu.SemaphoreType.DMA,
        pltpu.SemaphoreType.DMA,
    ],
)
def _deg_kernel(idx2_hbm, w_hbm, out_hbm, tab, i0, i1, w0, w1, si0, si1, sw0, sw1):
    cid = lax.axis_index("c")
    sid = lax.axis_index("s")
    ibufs, wbufs = (i0, i1), (w0, w1)
    isems, wsems = (si0, si1), (sw0, sw1)

    @pl.loop(0, N_PAD // 64)
    def _zero(k):
        for u in range(4):
            tab[pl.ds(k * 64 + u * 16, 16)] = jnp.zeros((16,), jnp.float32)

    ebase = sid * E1
    ibase = cid * N_EDGES + ebase
    for b in range(2):
        off = b * CB1
        pltpu.async_copy(idx2_hbm.at[pl.ds(ibase + off, CB1)], ibufs[b], isems[b])
        pltpu.async_copy(w_hbm.at[pl.ds(ebase + off, CB1)], wbufs[b], wsems[b])

    @pl.loop(0, NCH1 - 1, step=2)
    def _main(g):
        for b in range(2):
            ch = g + b
            off = ch * CB1
            pltpu.make_async_copy(idx2_hbm.at[pl.ds(ibase + off, CB1)], ibufs[b], isems[b]).wait()
            pltpu.make_async_copy(w_hbm.at[pl.ds(ebase + off, CB1)], wbufs[b], wsems[b]).wait()

            @pl.loop(0, CB1 // 64)
            def _scat(k):
                for u in range(4):
                    sl = pl.ds(k * 64 + u * 16, 16)
                    plsc.addupdate_scatter(tab, [ibufs[b][sl]], wbufs[b][sl])

            nxt = ch + 2

            @pl.when(nxt < NCH1)
            def _():
                noff = nxt * CB1
                pltpu.async_copy(idx2_hbm.at[pl.ds(ibase + noff, CB1)], ibufs[b], isems[b])
                pltpu.async_copy(w_hbm.at[pl.ds(ebase + noff, CB1)], wbufs[b], wsems[b])

    loff = (NCH1 - 1) * CB1
    pltpu.make_async_copy(idx2_hbm.at[pl.ds(ibase + loff, CB1)], ibufs[0], isems[0]).wait()
    pltpu.make_async_copy(w_hbm.at[pl.ds(ebase + loff, CB1)], wbufs[0], wsems[0]).wait()

    @pl.loop(0, CB1 // 64)
    def _scat_tail(k):
        for u in range(4):
            sl = pl.ds(k * 64 + u * 16, 16)
            plsc.addupdate_scatter(tab, [ibufs[0][sl]], wbufs[0][sl])

    pltpu.sync_copy(tab, out_hbm.at[pl.ds((cid * NS + sid) * N_PAD, N_PAD)])


def _norm_body(p_ref, o_ref):
    n = lax.rsqrt(jnp.sum(p_ref[...], axis=1))
    u = lax.bitcast_convert_type(n.astype(jnp.bfloat16), jnp.uint16).astype(jnp.uint32)
    o_ref[...] = lax.bitcast_convert_type((u[0] << 16) | u[1], jnp.int32)


def _norm_tc(partials):
    return pl.pallas_call(
        _norm_body,
        out_shape=jax.ShapeDtypeStruct((784, 128), jnp.int32),
    )(partials.reshape(NC, NS, 784, 128))


@functools.partial(
    pl.kernel,
    out_type=jax.ShapeDtypeStruct((N_EDGES,), jnp.float32),
    mesh=_mesh,
    compiler_params=pltpu.CompilerParams(needs_layout_passes=False),
    scratch_types=[
        pltpu.VMEM((N_PAD,), jnp.int32),
        pltpu.VMEM((CB3,), jnp.int32),
        pltpu.VMEM((CB3,), jnp.int32),
        pltpu.VMEM((CB3,), jnp.int32),
        pltpu.VMEM((CB3,), jnp.int32),
        pltpu.VMEM((CB3,), jnp.float32),
        pltpu.VMEM((CB3,), jnp.float32),
        pltpu.VMEM((CB3,), jnp.float32),
        pltpu.VMEM((CB3,), jnp.float32),
        pltpu.SemaphoreType.DMA,
        pltpu.SemaphoreType.DMA,
        pltpu.SemaphoreType.DMA,
        pltpu.SemaphoreType.DMA,
        pltpu.SemaphoreType.DMA,
        pltpu.SemaphoreType.DMA,
        pltpu.SemaphoreType.DMA,
        pltpu.SemaphoreType.DMA,
    ],
)
def _edge_kernel(tab_hbm, idx2_hbm, w_hbm, out_hbm, tab,
                 s0, s1, d0, d1, w0, w1, o0, o1,
                 ss0, ss1, sd0, sd1, sw0, sw1, so0, so1):
    cid = lax.axis_index("c")
    sid = lax.axis_index("s")
    wid = cid * NS + sid
    sbufs, dbufs, wbufs, obufs = (s0, s1), (d0, d1), (w0, w1), (o0, o1)
    ssems, dsems, wsems, osems = (ss0, ss1), (sd0, sd1), (sw0, sw1), (so0, so1)

    pltpu.sync_copy(tab_hbm, tab)

    ebase = wid * E3
    for b in range(2):
        off = ebase + b * CB3
        pltpu.async_copy(idx2_hbm.at[pl.ds(off, CB3)], sbufs[b], ssems[b])
        pltpu.async_copy(idx2_hbm.at[pl.ds(N_EDGES + off, CB3)], dbufs[b], dsems[b])
        pltpu.async_copy(w_hbm.at[pl.ds(off, CB3)], wbufs[b], wsems[b])

    @pl.loop(0, NCH3 - 1, step=2)
    def _main(g):
        for b in range(2):
            ch = g + b
            off = ebase + ch * CB3
            pltpu.make_async_copy(idx2_hbm.at[pl.ds(off, CB3)], sbufs[b], ssems[b]).wait()
            pltpu.make_async_copy(idx2_hbm.at[pl.ds(N_EDGES + off, CB3)], dbufs[b], dsems[b]).wait()
            pltpu.make_async_copy(w_hbm.at[pl.ds(off, CB3)], wbufs[b], wsems[b]).wait()

            @pl.when(ch >= 2)
            def _():
                pltpu.make_async_copy(
                    obufs[b], out_hbm.at[pl.ds(ebase + (ch - 2) * CB3, CB3)], osems[b]
                ).wait()

            @pl.loop(0, CB3 // 64)
            def _mul(k):
                for u in range(4):
                    sl = pl.ds(k * 64 + u * 16, 16)
                    ws = plsc.load_gather(tab, [sbufs[b][sl]])
                    wd = plsc.load_gather(tab, [dbufs[b][sl]])
                    ns = plsc.bitcast(ws & jnp.int32(-65536), jnp.float32)
                    nd = plsc.bitcast(wd << 16, jnp.float32)
                    obufs[b][sl] = ns * nd * wbufs[b][sl]

            pltpu.async_copy(obufs[b], out_hbm.at[pl.ds(off, CB3)], osems[b])

            nxt = ch + 2

            @pl.when(nxt < NCH3)
            def _():
                noff = ebase + nxt * CB3
                pltpu.async_copy(idx2_hbm.at[pl.ds(noff, CB3)], sbufs[b], ssems[b])
                pltpu.async_copy(idx2_hbm.at[pl.ds(N_EDGES + noff, CB3)], dbufs[b], dsems[b])
                pltpu.async_copy(w_hbm.at[pl.ds(noff, CB3)], wbufs[b], wsems[b])

    loff = ebase + (NCH3 - 1) * CB3
    pltpu.make_async_copy(idx2_hbm.at[pl.ds(loff, CB3)], sbufs[0], ssems[0]).wait()
    pltpu.make_async_copy(idx2_hbm.at[pl.ds(N_EDGES + loff, CB3)], dbufs[0], dsems[0]).wait()
    pltpu.make_async_copy(w_hbm.at[pl.ds(loff, CB3)], wbufs[0], wsems[0]).wait()
    pltpu.make_async_copy(
        obufs[0], out_hbm.at[pl.ds(ebase + (NCH3 - 3) * CB3, CB3)], osems[0]
    ).wait()

    @pl.loop(0, CB3 // 64)
    def _mul_tail(k):
        for u in range(4):
            sl = pl.ds(k * 64 + u * 16, 16)
            ws = plsc.load_gather(tab, [sbufs[0][sl]])
            wd = plsc.load_gather(tab, [dbufs[0][sl]])
            ns = plsc.bitcast(ws & jnp.int32(-65536), jnp.float32)
            nd = plsc.bitcast(wd << 16, jnp.float32)
            obufs[0][sl] = ns * nd * wbufs[0][sl]

    pltpu.async_copy(obufs[0], out_hbm.at[pl.ds(loff, CB3)], osems[0])
    pltpu.make_async_copy(obufs[0], out_hbm.at[pl.ds(loff, CB3)], osems[0]).wait()
    pltpu.make_async_copy(
        obufs[1], out_hbm.at[pl.ds(ebase + (NCH3 - 2) * CB3, CB3)], osems[1]
    ).wait()


def kernel(edge_weight, edge_index):
    idx_flat = edge_index.reshape(2 * N_EDGES)
    partials = _deg_kernel(idx_flat, edge_weight)
    table = _norm_tc(partials.reshape(NC, NS, 784, 128))
    return _edge_kernel(table.reshape(N_PAD), idx_flat, edge_weight)

# --- scband reference (transcript-rebuilt; emitter-appended) ---
"""Pipeline reference for scband-edge-weight-norm-3796751090015 (READ-ONLY COPY).

The authoritative reference and input builder live on the scoring server;
editing this copy changes nothing except your own understanding.
"""

import jax, jax.numpy as jnp
import numpy as np

N_NODES = 100000
N_EDGES = 6400000
EPS = 0.0

def setup_inputs(seed: int = 0) -> dict:
    key = jax.random.key(seed)
    k1, k2 = jax.random.split(key)
    edge_index = jax.random.randint(k1, (2, N_EDGES), 0, N_NODES, dtype=jnp.int32)
    # norm='both' requires strictly positive edge weights
    edge_weight = jax.random.uniform(k2, (N_EDGES,), dtype=jnp.float32, minval=1e-4, maxval=1.0)
    return {"edge_weight": edge_weight, "edge_index": edge_index}

def reference(edge_weight, edge_index):
    # EdgeWeightNorm with norm='both':
    # c_ji = sqrt(sum_k e_jk over out-edges of src j) * sqrt(sum_k e_ki over in-edges of dst i)
    # returns e_ji / c_ji
    src = edge_index[0]
    dst = edge_index[1]
    # reversed-graph update_all: sum of edge weights grouped by source node (out-weight sums)
    deg_src = jax.ops.segment_sum(edge_weight, src, num_segments=N_NODES) + EPS
    # forward-graph update_all: sum of edge weights grouped by destination node (in-weight sums)
    deg_dst = jax.ops.segment_sum(edge_weight, dst, num_segments=N_NODES) + EPS
    norm_src = jnp.power(deg_src, -0.5)
    norm_dst = jnp.power(deg_dst, -0.5)
    # apply_edges: e.src['_src_out_w'] * e.dst['_dst_in_w'] * e.data['_edge_w']
    return norm_src[src] * norm_dst[dst] * edge_weight

if __name__ == "__main__":
    import jax
    _d = setup_inputs()
    print(jax.jit(kernel)(*tuple(_d.values())))

</pallas_src>

<mosaic_0001>
#map = affine_map<(d0, d1) -> (0)>
module attributes {stable_mosaic.version = 14 : i64} {
  func.func @_deg_kernel(%arg0: i32, %arg1: i32, %arg2: memref<12800000xi32, #tpu.memory_space<hbm>>, %arg3: memref<6400000xf32, #tpu.memory_space<hbm>>, %arg4: memref<3211264xf32, #tpu.memory_space<hbm>>, %arg5: memref<100352xf32, #tpu.memory_space<vmem>>, %arg6: memref<3200xi32, #tpu.memory_space<vmem>>, %arg7: memref<3200xi32, #tpu.memory_space<vmem>>, %arg8: memref<3200xf32, #tpu.memory_space<vmem>>, %arg9: memref<3200xf32, #tpu.memory_space<vmem>>, %arg10: memref<!tpu.dma_semaphore, #tpu.memory_space<semaphore_mem>>, %arg11: memref<!tpu.dma_semaphore, #tpu.memory_space<semaphore_mem>>, %arg12: memref<!tpu.dma_semaphore, #tpu.memory_space<semaphore_mem>>, %arg13: memref<!tpu.dma_semaphore, #tpu.memory_space<semaphore_mem>>) attributes {dimension_semantics = [#tpu.dimension_semantics<core_parallel>, #tpu.dimension_semantics<subcore_parallel>], iteration_bounds = array<i64: 2, 16>, scalar_prefetch = 0 : i64, scratch_operands = 9 : i64, tpu.core_type = #tpu.core_type<sc_vector_subcore>, window_params = [{transform_indices = #map}, {transform_indices = #map}, {transform_indices = #map}]} {
    %scan3A = arith.constant 0 : i32
    %scan3A_0 = arith.constant 1568 : i32
    %scan3A_1 = arith.addi %scan3A, %scan3A_0 : i32
    %scan3A_2 = arith.constant 1 : i32
    scf.for %scan3A_44 = %scan3A to %scan3A_1 step %scan3A_2  : i32 {
      %mul3A_45 = arith.constant 1 : i32
      %mul3A_46 = arith.muli %scan3A_44, %mul3A_45 : i32
      %add3A_47 = arith.constant 0 : i32
      %add3A_48 = arith.addi %add3A_47, %mul3A_46 : i32
      %broadcast_in_dim3A = arith.constant 0.000000e+00 : f32
      %broadcast_in_dim3A_49 = vector.broadcast %broadcast_in_dim3A : f32 to vector<16xf32>
      %mul3A_50 = arith.constant 64 : i32
      %mul3A_51 = arith.muli %add3A_48, %mul3A_50 : i32
      %add3A_52 = arith.constant 0 : i32
      %add3A_53 = arith.addi %mul3A_51, %add3A_52 : i32
      %swap3A = arith.index_cast %add3A_53 : i32 to index
      %swap3A_54 = tpu.vector_load %arg5[%swap3A] {strides = array<i32>} : memref<100352xf32, #tpu.memory_space<vmem>>, vector<16xf32>,
      tpu.vector_store %arg5[%swap3A], %broadcast_in_dim3A_49 {strides = array<i32>} : memref<100352xf32, #tpu.memory_space<vmem>>, vector<16xf32>,
      %broadcast_in_dim3A_55 = arith.constant 0.000000e+00 : f32
      %broadcast_in_dim3A_56 = vector.broadcast %broadcast_in_dim3A_55 : f32 to vector<16xf32>
      %mul3A_57 = arith.constant 64 : i32
      %mul3A_58 = arith.muli %add3A_48, %mul3A_57 : i32
      %add3A_59 = arith.constant 16 : i32
      %add3A_60 = arith.addi %mul3A_58, %add3A_59 : i32
      %swap3A_61 = arith.index_cast %add3A_60 : i32 to index
      %swap3A_62 = tpu.vector_load %arg5[%swap3A_61] {strides = array<i32>} : memref<100352xf32, #tpu.memory_space<vmem>>, vector<16xf32>,
      tpu.vector_store %arg5[%swap3A_61], %broadcast_in_dim3A_56 {strides = array<i32>} : memref<100352xf32, #tpu.memory_space<vmem>>, vector<16xf32>,
      %broadcast_in_dim3A_63 = arith.constant 0.000000e+00 : f32
      %broadcast_in_dim3A_64 = vector.broadcast %broadcast_in_dim3A_63 : f32 to vector<16xf32>
      %mul3A_65 = arith.constant 64 : i32
      %mul3A_66 = arith.muli %add3A_48, %mul3A_65 : i32
      %add3A_67 = arith.constant 32 : i32
      %add3A_68 = arith.addi %mul3A_66, %add3A_67 : i32
      %swap3A_69 = arith.index_cast %add3A_68 : i32 to index
      %swap3A_70 = tpu.vector_load %arg5[%swap3A_69] {strides = array<i32>} : memref<100352xf32, #tpu.memory_space<vmem>>, vector<16xf32>,
      tpu.vector_store %arg5[%swap3A_69], %broadcast_in_dim3A_64 {strides = array<i32>} : memref<100352xf32, #tpu.memory_space<vmem>>, vector<16xf32>,
      %broadcast_in_dim3A_71 = arith.constant 0.000000e+00 : f32
      %broadcast_in_dim3A_72 = vector.broadcast %broadcast_in_dim3A_71 : f32 to vector<16xf32>
      %mul3A_73 = arith.constant 64 : i32
      %mul3A_74 = arith.muli %add3A_48, %mul3A_73 : i32
      %add3A_75 = arith.constant 48 : i32
      %add3A_76 = arith.addi %mul3A_74, %add3A_75 : i32
      %swap3A_77 = arith.index_cast %add3A_76 : i32 to index
      %swap3A_78 = tpu.vector_load %arg5[%swap3A_77] {strides = array<i32>} : memref<100352xf32, #tpu.memory_space<vmem>>, vector<16xf32>,
      tpu.vector_store %arg5[%swap3A_77], %broadcast_in_dim3A_72 {strides = array<i32>} : memref<100352xf32, #tpu.memory_space<vmem>>, vector<16xf32>,
    }
    %scan3A_3 = arith.constant 1568 : i32
    %mul3A = arith.constant 400000 : i32
    %mul3A_4 = arith.muli %arg1, %mul3A : i32
    %mul3A_5 = arith.constant 6400000 : i32
    %mul3A_6 = arith.muli %arg0, %mul3A_5 : i32
    %add3A = arith.addi %mul3A_6, %mul3A_4 : i32
    %add3A_7 = arith.constant 0 : i32
    %add3A_8 = arith.addi %add3A, %add3A_7 : i32
    %dma_start3A = tpu.memref_slice %arg2[%add3A_8] : memref<12800000xi32, #tpu.memory_space<hbm>> -> memref<3200xi32, #tpu.memory_space<hbm>>
    %dma_start3A_9 = tpu.memref_slice %arg2[%add3A_8] : memref<12800000xi32, #tpu.memory_space<hbm>> -> memref<3200xi32, #tpu.memory_space<hbm>>
    tpu.enqueue_dma source(%dma_start3A_9 : memref<3200xi32, #tpu.memory_space<hbm>>) target(%arg6 : memref<3200xi32, #tpu.memory_space<vmem>>) target_semaphore(%arg10 : memref<!tpu.dma_semaphore, #tpu.memory_space<semaphore_mem>>)
    %add3A_10 = arith.constant 0 : i32
    %add3A_11 = arith.addi %mul3A_4, %add3A_10 : i32
    %dma_start3A_12 = tpu.memref_slice %arg3[%add3A_11] : memref<6400000xf32, #tpu.memory_space<hbm>> -> memref<3200xf32, #tpu.memory_space<hbm>>
    %dma_start3A_13 = tpu.memref_slice %arg3[%add3A_11] : memref<6400000xf32, #tpu.memory_space<hbm>> -> memref<3200xf32, #tpu.memory_space<hbm>>
    tpu.enqueue_dma source(%dma_start3A_13 : memref<3200xf32, #tpu.memory_space<hbm>>) target(%arg8 : memref<3200xf32, #tpu.memory_space<vmem>>) target_semaphore(%arg12 : memref<!tpu.dma_semaphore, #tpu.memory_space<semaphore_mem>>)
    %add3A_14 = arith.constant 3200 : i32
    %add3A_15 = arith.addi %add3A, %add3A_14 : i32
    %dma_start3A_16 = tpu.memref_slice %arg2[%add3A_15] : memref<12800000xi32, #tpu.memory_space<hbm>> -> memref<3200xi32, #tpu.memory_space<hbm>>
    %dma_start3A_17 = tpu.memref_slice %arg2[%add3A_15] : memref<12800000xi32, #tpu.memory_space<hbm>> -> memref<3200xi32, #tpu.memory_space<hbm>>
    tpu.enqueue_dma source(%dma_start3A_17 : memref<3200xi32, #tpu.memory_space<hbm>>) target(%arg7 : memref<3200xi32, #tpu.memory_space<vmem>>) target_semaphore(%arg11 : memref<!tpu.dma_semaphore, #tpu.memory_space<semaphore_mem>>)
    %add3A_18 = arith.constant 3200 : i32
    %add3A_19 = arith.addi %mul3A_4, %add3A_18 : i32
    %dma_start3A_20 = tpu.memref_slice %arg3[%add3A_19] : memref<6400000xf32, #tpu.memory_space<hbm>> -> memref<3200xf32, #tpu.memory_space<hbm>>
    %dma_start3A_21 = tpu.memref_slice %arg3[%add3A_19] : memref<6400000xf32, #tpu.memory_space<hbm>> -> memref<3200xf32, #tpu.memory_space<hbm>>
    tpu.enqueue_dma source(%dma_start3A_21 : memref<3200xf32, #tpu.memory_space<hbm>>) target(%arg9 : memref<3200xf32, #tpu.memory_space<vmem>>) target_semaphore(%arg13 : memref<!tpu.dma_semaphore, #tpu.memory_space<semaphore_mem>>)
    %scan3A_22 = arith.constant 0 : i32
    %scan3A_23 = arith.constant 62 : i32
    %scan3A_24 = arith.addi %scan3A_22, %scan3A_23 : i32
    %scan3A_25 = arith.constant 1 : i32
    scf.for %scan3A_44 = %scan3A_22 to %scan3A_24 step %scan3A_25  : i32 {
      %mul3A_45 = arith.constant 2 : i32
      %mul3A_46 = arith.muli %scan3A_44, %mul3A_45 : i32
      %add3A_47 = arith.constant 0 : i32
      %add3A_48 = arith.addi %add3A_47, %mul3A_46 : i32
      %add3A_49 = arith.constant 0 : i32
      %add3A_50 = arith.addi %add3A_48, %add3A_49 : i32
      %mul3A_51 = arith.constant 3200 : i32
      %mul3A_52 = arith.muli %add3A_50, %mul3A_51 : i32
      %add3A_53 = arith.addi %add3A, %mul3A_52 : i32
      %dma_wait3A_54 = tpu.memref_slice %arg2[%add3A_53] : memref<12800000xi32, #tpu.memory_space<hbm>> -> memref<3200xi32, #tpu.memory_space<hbm>>
      %dma_wait3A_55 = tpu.memref_slice %arg2[%add3A_53] : memref<12800000xi32, #tpu.memory_space<hbm>> -> memref<3200xi32, #tpu.memory_space<hbm>>
      tpu.wait_dma2 semaphore(%arg10 : memref<!tpu.dma_semaphore, #tpu.memory_space<semaphore_mem>>) src(%dma_wait3A_55 : memref<3200xi32, #tpu.memory_space<hbm>>) dst(%arg6 : memref<3200xi32, #tpu.memory_space<vmem>>)
      %add3A_56 = arith.addi %mul3A_4, %mul3A_52 : i32
      %dma_wait3A_57 = tpu.memref_slice %arg3[%add3A_56] : memref<6400000xf32, #tpu.memory_space<hbm>> -> memref<3200xf32, #tpu.memory_space<hbm>>
      %dma_wait3A_58 = tpu.memref_slice %arg3[%add3A_56] : memref<6400000xf32, #tpu.memory_space<hbm>> -> memref<3200xf32, #tpu.memory_space<hbm>>
      tpu.wait_dma2 semaphore(%arg12 : memref<!tpu.dma_semaphore, #tpu.memory_space<semaphore_mem>>) src(%dma_wait3A_58 : memref<3200xf32, #tpu.memory_space<hbm>>) dst(%arg8 : memref<3200xf32, #tpu.memory_space<vmem>>)
      %scan3A_59 = arith.constant 0 : i32
      %scan3A_60 = arith.constant 50 : i32
      %scan3A_61 = arith.addi %scan3A_59, %scan3A_60 : i32
      %scan3A_62 = arith.constant 1 : i32
      scf.for %scan3A_90 = %scan3A_59 to %scan3A_61 step %scan3A_62  : i32 {
        %mul3A_91 = arith.constant 1 : i32
        %mul3A_92 = arith.muli %scan3A_90, %mul3A_91 : i32
        %add3A_93 = arith.constant 0 : i32
        %add3A_94 = arith.addi %add3A_93, %mul3A_92 : i32
        %mul3A_95 = arith.constant 64 : i32
        %mul3A_96 = arith.muli %add3A_94, %mul3A_95 : i32
        %add3A_97 = arith.constant 0 : i32
        %add3A_98 = arith.addi %mul3A_96, %add3A_97 : i32
        %get3A = arith.index_cast %add3A_98 : i32 to index
        %get3A_99 = tpu.vector_load %arg6[%get3A] {strides = array<i32>} : memref<3200xi32, #tpu.memory_space<vmem>>, vector<16xi32>,
        %get3A_100 = arith.index_cast %add3A_98 : i32 to index
        %get3A_101 = tpu.vector_load %arg8[%get3A_100] {strides = array<i32>} : memref<3200xf32, #tpu.memory_space<vmem>>, vector<16xf32>,
        tpu.vector_store_idx %arg5[%get3A_99], %get3A_101 {add = true} : memref<100352xf32, #tpu.memory_space<vmem>>[vector<16xi32>], vector<16xf32>,
        %mul3A_102 = arith.constant 64 : i32
        %mul3A_103 = arith.muli %add3A_94, %mul3A_102 : i32
        %add3A_104 = arith.constant 16 : i32
        %add3A_105 = arith.addi %mul3A_103, %add3A_104 : i32
        %get3A_106 = arith.index_cast %add3A_105 : i32 to index
        %get3A_107 = tpu.vector_load %arg6[%get3A_106] {strides = array<i32>} : memref<3200xi32, #tpu.memory_space<vmem>>, vector<16xi32>,
        %get3A_108 = arith.index_cast %add3A_105 : i32 to index
        %get3A_109 = tpu.vector_load %arg8[%get3A_108] {strides = array<i32>} : memref<3200xf32, #tpu.memory_space<vmem>>, vector<16xf32>,
        tpu.vector_store_idx %arg5[%get3A_107], %get3A_109 {add = true} : memref<100352xf32, #tpu.memory_space<vmem>>[vector<16xi32>], vector<16xf32>,
        %mul3A_110 = arith.constant 64 : i32
        %mul3A_111 = arith.muli %add3A_94, %mul3A_110 : i32
        %add3A_112 = arith.constant 32 : i32
        %add3A_113 = arith.addi %mul3A_111, %add3A_112 : i32
        %get3A_114 = arith.index_cast %add3A_113 : i32 to index
        %get3A_115 = tpu.vector_load %arg6[%get3A_114] {strides = array<i32>} : memref<3200xi32, #tpu.memory_space<vmem>>, vector<16xi32>,
        %get3A_116 = arith.index_cast %add3A_113 : i32 to index
        %get3A_117 = tpu.vector_load %arg8[%get3A_116] {strides = array<i32>} : memref<3200xf32, #tpu.memory_space<vmem>>, vector<16xf32>,
        tpu.vector_store_idx %arg5[%get3A_115], %get3A_117 {add = true} : memref<100352xf32, #tpu.memory_space<vmem>>[vector<16xi32>], vector<16xf32>,
        %mul3A_118 = arith.constant 64 : i32
        %mul3A_119 = arith.muli %add3A_94, %mul3A_118 : i32
        %add3A_120 = arith.constant 48 : i32
        %add3A_121 = arith.addi %mul3A_119, %add3A_120 : i32
        %get3A_122 = arith.index_cast %add3A_121 : i32 to index
        %get3A_123 = tpu.vector_load %arg6[%get3A_122] {strides = array<i32>} : memref<3200xi32, #tpu.memory_space<vmem>>, vector<16xi32>,
        %get3A_124 = arith.index_cast %add3A_121 : i32 to index
        %get3A_125 = tpu.vector_load %arg8[%get3A_124] {strides = array<i32>} : memref<3200xf32, #tpu.memory_space<vmem>>, vector<16xf32>,
        tpu.vector_store_idx %arg5[%get3A_123], %get3A_125 {add = true} : memref<100352xf32, #tpu.memory_space<vmem>>[vector<16xi32>], vector<16xf32>,
      }
      %scan3A_63 = arith.constant 50 : i32
      %add3A_64 = arith.constant 2 : i32
      %add3A_65 = arith.addi %add3A_50, %add3A_64 : i32
      %lt3A = arith.constant 125 : i32
      %lt3A_66 = arith.cmpi slt, %add3A_65, %lt3A : i32
      %convert_element_type3A = arith.extui %lt3A_66 : i1 to i32
      %cond3A = arith.constant 0 : i32
      %cond3A_67 = arith.cmpi ne, %convert_element_type3A, %cond3A : i32
      scf.if %cond3A_67 {
        %mul3A_90 = arith.constant 3200 : i32
        %mul3A_91 = arith.muli %add3A_65, %mul3A_90 : i32
        %add3A_92 = arith.addi %add3A, %mul3A_91 : i32
        %dma_start3A_93 = tpu.memref_slice %arg2[%add3A_92] : memref<12800000xi32, #tpu.memory_space<hbm>> -> memref<3200xi32, #tpu.memory_space<hbm>>
        %dma_start3A_94 = tpu.memref_slice %arg2[%add3A_92] : memref<12800000xi32, #tpu.memory_space<hbm>> -> memref<3200xi32, #tpu.memory_space<hbm>>
        tpu.enqueue_dma source(%dma_start3A_94 : memref<3200xi32, #tpu.memory_space<hbm>>) target(%arg6 : memref<3200xi32, #tpu.memory_space<vmem>>) target_semaphore(%arg10 : memref<!tpu.dma_semaphore, #tpu.memory_space<semaphore_mem>>)
        %add3A_95 = arith.addi %mul3A_4, %mul3A_91 : i32
        %dma_start3A_96 = tpu.memref_slice %arg3[%add3A_95] : memref<6400000xf32, #tpu.memory_space<hbm>> -> memref<3200xf32, #tpu.memory_space<hbm>>
        %dma_start3A_97 = tpu.memref_slice %arg3[%add3A_95] : memref<6400000xf32, #tpu.memory_space<hbm>> -> memref<3200xf32, #tpu.memory_space<hbm>>
        tpu.enqueue_dma source(%dma_start3A_97 : memref<3200xf32, #tpu.memory_space<hbm>>) target(%arg8 : memref<3200xf32, #tpu.memory_space<vmem>>) target_semaphore(%arg12 : memref<!tpu.dma_semaphore, #tpu.memory_space<semaphore_mem>>)
      } else {
      }
      %add3A_68 = arith.constant 1 : i32
      %add3A_69 = arith.addi %add3A_48, %add3A_68 : i32
      %mul3A_70 = arith.constant 3200 : i32
      %mul3A_71 = arith.muli %add3A_69, %mul3A_70 : i32
      %add3A_72 = arith.addi %add3A, %mul3A_71 : i32
      %dma_wait3A_73 = tpu.memref_slice %arg2[%add3A_72] : memref<12800000xi32, #tpu.memory_space<hbm>> -> memref<3200xi32, #tpu.memory_space<hbm>>
      %dma_wait3A_74 = tpu.memref_slice %arg2[%add3A_72] : memref<12800000xi32, #tpu.memory_space<hbm>> -> memref<3200xi32, #tpu.memory_space<hbm>>
      tpu.wait_dma2 semaphore(%arg11 : memref<!tpu.dma_semaphore, #tpu.memory_space<semaphore_mem>>) src(%dma_wait3A_74 : memref<3200xi32, #tpu.memory_space<hbm>>) dst(%arg7 : memref<3200xi32, #tpu.memory_space<vmem>>)
      %add3A_75 = arith.addi %mul3A_4, %mul3A_71 : i32
      %dma_wait3A_76 = tpu.memref_slice %arg3[%add3A_75] : memref<6400000xf32, #tpu.memory_space<hbm>> -> memref<3200xf32, #tpu.memory_space<hbm>>
      %dma_wait3A_77 = tpu.memref_slice %arg3[%add3A_75] : memref<6400000xf32, #tpu.memory_space<hbm>> -> memref<3200xf32, #tpu.memory_space<hbm>>
      tpu.wait_dma2 semaphore(%arg13 : memref<!tpu.dma_semaphore, #tpu.memory_space<semaphore_mem>>) src(%dma_wait3A_77 : memref<3200xf32, #tpu.memory_space<hbm>>) dst(%arg9 : memref<3200xf32, #tpu.memory_space<vmem>>)
      %scan3A_78 = arith.constant 0 : i32
      %scan3A_79 = arith.constant 50 : i32
      %scan3A_80 = arith.addi %scan3A_78, %scan3A_79 : i32
      %scan3A_81 = arith.constant 1 : i32
      scf.for %scan3A_90 = %scan3A_78 to %scan3A_80 step %scan3A_81  : i32 {
        %mul3A_91 = arith.constant 1 : i32
        %mul3A_92 = arith.muli %scan3A_90, %mul3A_91 : i32
        %add3A_93 = arith.constant 0 : i32
        %add3A_94 = arith.addi %add3A_93, %mul3A_92 : i32
        %mul3A_95 = arith.constant 64 : i32
        %mul3A_96 = arith.muli %add3A_94, %mul3A_95 : i32
        %add3A_97 = arith.constant 0 : i32
        %add3A_98 = arith.addi %mul3A_96, %add3A_97 : i32
        %get3A = arith.index_cast %add3A_98 : i32 to index
        %get3A_99 = tpu.vector_load %arg7[%get3A] {strides = array<i32>} : memref<3200xi32, #tpu.memory_space<vmem>>, vector<16xi32>,
        %get3A_100 = arith.index_cast %add3A_98 : i32 to index
        %get3A_101 = tpu.vector_load %arg9[%get3A_100] {strides = array<i32>} : memref<3200xf32, #tpu.memory_space<vmem>>, vector<16xf32>,
        tpu.vector_store_idx %arg5[%get3A_99], %get3A_101 {add = true} : memref<100352xf32, #tpu.memory_space<vmem>>[vector<16xi32>], vector<16xf32>,
        %mul3A_102 = arith.constant 64 : i32
        %mul3A_103 = arith.muli %add3A_94, %mul3A_102 : i32
        %add3A_104 = arith.constant 16 : i32
        %add3A_105 = arith.addi %mul3A_103, %add3A_104 : i32
        %get3A_106 = arith.index_cast %add3A_105 : i32 to index
        %get3A_107 = tpu.vector_load %arg7[%get3A_106] {strides = array<i32>} : memref<3200xi32, #tpu.memory_space<vmem>>, vector<16xi32>,
        %get3A_108 = arith.index_cast %add3A_105 : i32 to index
        %get3A_109 = tpu.vector_load %arg9[%get3A_108] {strides = array<i32>} : memref<3200xf32, #tpu.memory_space<vmem>>, vector<16xf32>,
        tpu.vector_store_idx %arg5[%get3A_107], %get3A_109 {add = true} : memref<100352xf32, #tpu.memory_space<vmem>>[vector<16xi32>], vector<16xf32>,
        %mul3A_110 = arith.constant 64 : i32
        %mul3A_111 = arith.muli %add3A_94, %mul3A_110 : i32
        %add3A_112 = arith.constant 32 : i32
        %add3A_113 = arith.addi %mul3A_111, %add3A_112 : i32
        %get3A_114 = arith.index_cast %add3A_113 : i32 to index
        %get3A_115 = tpu.vector_load %arg7[%get3A_114] {strides = array<i32>} : memref<3200xi32, #tpu.memory_space<vmem>>, vector<16xi32>,
        %get3A_116 = arith.index_cast %add3A_113 : i32 to index
        %get3A_117 = tpu.vector_load %arg9[%get3A_116] {strides = array<i32>} : memref<3200xf32, #tpu.memory_space<vmem>>, vector<16xf32>,
        tpu.vector_store_idx %arg5[%get3A_115], %get3A_117 {add = true} : memref<100352xf32, #tpu.memory_space<vmem>>[vector<16xi32>], vector<16xf32>,
        %mul3A_118 = arith.constant 64 : i32
        %mul3A_119 = arith.muli %add3A_94, %mul3A_118 : i32
        %add3A_120 = arith.constant 48 : i32
        %add3A_121 = arith.addi %mul3A_119, %add3A_120 : i32
        %get3A_122 = arith.index_cast %add3A_121 : i32 to index
        %get3A_123 = tpu.vector_load %arg7[%get3A_122] {strides = array<i32>} : memref<3200xi32, #tpu.memory_space<vmem>>, vector<16xi32>,
        %get3A_124 = arith.index_cast %add3A_121 : i32 to index
        %get3A_125 = tpu.vector_load %arg9[%get3A_124] {strides = array<i32>} : memref<3200xf32, #tpu.memory_space<vmem>>, vector<16xf32>,
        tpu.vector_store_idx %arg5[%get3A_123], %get3A_125 {add = true} : memref<100352xf32, #tpu.memory_space<vmem>>[vector<16xi32>], vector<16xf32>,
      }
      %scan3A_82 = arith.constant 50 : i32
      %add3A_83 = arith.constant 2 : i32
      %add3A_84 = arith.addi %add3A_69, %add3A_83 : i32
      %lt3A_85 = arith.constant 125 : i32
      %lt3A_86 = arith.cmpi slt, %add3A_84, %lt3A_85 : i32
      %convert_element_type3A_87 = arith.extui %lt3A_86 : i1 to i32
      %cond3A_88 = arith.constant 0 : i32
      %cond3A_89 = arith.cmpi ne, %convert_element_type3A_87, %cond3A_88 : i32
      scf.if %cond3A_89 {
        %mul3A_90 = arith.constant 3200 : i32
        %mul3A_91 = arith.muli %add3A_84, %mul3A_90 : i32
        %add3A_92 = arith.addi %add3A, %mul3A_91 : i32
        %dma_start3A_93 = tpu.memref_slice %arg2[%add3A_92] : memref<12800000xi32, #tpu.memory_space<hbm>> -> memref<3200xi32, #tpu.memory_space<hbm>>
        %dma_start3A_94 = tpu.memref_slice %arg2[%add3A_92] : memref<12800000xi32, #tpu.memory_space<hbm>> -> memref<3200xi32, #tpu.memory_space<hbm>>
        tpu.enqueue_dma source(%dma_start3A_94 : memref<3200xi32, #tpu.memory_space<hbm>>) target(%arg7 : memref<3200xi32, #tpu.memory_space<vmem>>) target_semaphore(%arg11 : memref<!tpu.dma_semaphore, #tpu.memory_space<semaphore_mem>>)
        %add3A_95 = arith.addi %mul3A_4, %mul3A_91 : i32
        %dma_start3A_96 = tpu.memref_slice %arg3[%add3A_95] : memref<6400000xf32, #tpu.memory_space<hbm>> -> memref<3200xf32, #tpu.memory_space<hbm>>
        %dma_start3A_97 = tpu.memref_slice %arg3[%add3A_95] : memref<6400000xf32, #tpu.memory_space<hbm>> -> memref<3200xf32, #tpu.memory_space<hbm>>
        tpu.enqueue_dma source(%dma_start3A_97 : memref<3200xf32, #tpu.memory_space<hbm>>) target(%arg9 : memref<3200xf32, #tpu.memory_space<vmem>>) target_semaphore(%arg13 : memref<!tpu.dma_semaphore, #tpu.memory_space<semaphore_mem>>)
      } else {
      }
    }
    %scan3A_26 = arith.constant 62 : i32
    %add3A_27 = arith.constant 396800 : i32
    %add3A_28 = arith.addi %add3A, %add3A_27 : i32
    %dma_wait3A = tpu.memref_slice %arg2[%add3A_28] : memref<12800000xi32, #tpu.memory_space<hbm>> -> memref<3200xi32, #tpu.memory_space<hbm>>
    %dma_wait3A_29 = tpu.memref_slice %arg2[%add3A_28] : memref<12800000xi32, #tpu.memory_space<hbm>> -> memref<3200xi32, #tpu.memory_space<hbm>>
    tpu.wait_dma2 semaphore(%arg10 : memref<!tpu.dma_semaphore, #tpu.memory_space<semaphore_mem>>) src(%dma_wait3A_29 : memref<3200xi32, #tpu.memory_space<hbm>>) dst(%arg6 : memref<3200xi32, #tpu.memory_space<vmem>>)
    %add3A_30 = arith.constant 396800 : i32
    %add3A_31 = arith.addi %mul3A_4, %add3A_30 : i32
    %dma_wait3A_32 = tpu.memref_slice %arg3[%add3A_31] : memref<6400000xf32, #tpu.memory_space<hbm>> -> memref<3200xf32, #tpu.memory_space<hbm>>
    %dma_wait3A_33 = tpu.memref_slice %arg3[%add3A_31] : memref<6400000xf32, #tpu.memory_space<hbm>> -> memref<3200xf32, #tpu.memory_space<hbm>>
    tpu.wait_dma2 semaphore(%arg12 : memref<!tpu.dma_semaphore, #tpu.memory_space<semaphore_mem>>) src(%dma_wait3A_33 : memref<3200xf32, #tpu.memory_space<hbm>>) dst(%arg8 : memref<3200xf32, #tpu.memory_space<vmem>>)
    %scan3A_34 = arith.constant 0 : i32
    %scan3A_35 = arith.constant 50 : i32
    %scan3A_36 = arith.addi %scan3A_34, %scan3A_35 : i32
    %scan3A_37 = arith.constant 1 : i32
    scf.for %scan3A_44 = %scan3A_34 to %scan3A_36 step %scan3A_37  : i32 {
      %mul3A_45 = arith.constant 1 : i32
      %mul3A_46 = arith.muli %scan3A_44, %mul3A_45 : i32
      %add3A_47 = arith.constant 0 : i32
      %add3A_48 = arith.addi %add3A_47, %mul3A_46 : i32
      %mul3A_49 = arith.constant 64 : i32
      %mul3A_50 = arith.muli %add3A_48, %mul3A_49 : i32
      %add3A_51 = arith.constant 0 : i32
      %add3A_52 = arith.addi %mul3A_50, %add3A_51 : i32
      %get3A = arith.index_cast %add3A_52 : i32 to index
      %get3A_53 = tpu.vector_load %arg6[%get3A] {strides = array<i32>} : memref<3200xi32, #tpu.memory_space<vmem>>, vector<16xi32>,
      %get3A_54 = arith.index_cast %add3A_52 : i32 to index
      %get3A_55 = tpu.vector_load %arg8[%get3A_54] {strides = array<i32>} : memref<3200xf32, #tpu.memory_space<vmem>>, vector<16xf32>,
      tpu.vector_store_idx %arg5[%get3A_53], %get3A_55 {add = true} : memref<100352xf32, #tpu.memory_space<vmem>>[vector<16xi32>], vector<16xf32>,
      %mul3A_56 = arith.constant 64 : i32
      %mul3A_57 = arith.muli %add3A_48, %mul3A_56 : i32
      %add3A_58 = arith.constant 16 : i32
      %add3A_59 = arith.addi %mul3A_57, %add3A_58 : i32
      %get3A_60 = arith.index_cast %add3A_59 : i32 to index
      %get3A_61 = tpu.vector_load %arg6[%get3A_60] {strides = array<i32>} : memref<3200xi32, #tpu.memory_space<vmem>>, vector<16xi32>,
      %get3A_62 = arith.index_cast %add3A_59 : i32 to index
      %get3A_63 = tpu.vector_load %arg8[%get3A_62] {strides = array<i32>} : memref<3200xf32, #tpu.memory_space<vmem>>, vector<16xf32>,
      tpu.vector_store_idx %arg5[%get3A_61], %get3A_63 {add = true} : memref<100352xf32, #tpu.memory_space<vmem>>[vector<16xi32>], vector<16xf32>,
      %mul3A_64 = arith.constant 64 : i32
      %mul3A_65 = arith.muli %add3A_48, %mul3A_64 : i32
      %add3A_66 = arith.constant 32 : i32
      %add3A_67 = arith.addi %mul3A_65, %add3A_66 : i32
      %get3A_68 = arith.index_cast %add3A_67 : i32 to index
      %get3A_69 = tpu.vector_load %arg6[%get3A_68] {strides = array<i32>} : memref<3200xi32, #tpu.memory_space<vmem>>, vector<16xi32>,
      %get3A_70 = arith.index_cast %add3A_67 : i32 to index
      %get3A_71 = tpu.vector_load %arg8[%get3A_70] {strides = array<i32>} : memref<3200xf32, #tpu.memory_space<vmem>>, vector<16xf32>,
      tpu.vector_store_idx %arg5[%get3A_69], %get3A_71 {add = true} : memref<100352xf32, #tpu.memory_space<vmem>>[vector<16xi32>], vector<16xf32>,
      %mul3A_72 = arith.constant 64 : i32
      %mul3A_73 = arith.muli %add3A_48, %mul3A_72 : i32
      %add3A_74 = arith.constant 48 : i32
      %add3A_75 = arith.addi %mul3A_73, %add3A_74 : i32
      %get3A_76 = arith.index_cast %add3A_75 : i32 to index
      %get3A_77 = tpu.vector_load %arg6[%get3A_76] {strides = array<i32>} : memref<3200xi32, #tpu.memory_space<vmem>>, vector<16xi32>,
      %get3A_78 = arith.index_cast %add3A_75 : i32 to index
      %get3A_79 = tpu.vector_load %arg8[%get3A_78] {strides = array<i32>} : memref<3200xf32, #tpu.memory_space<vmem>>, vector<16xf32>,
      tpu.vector_store_idx %arg5[%get3A_77], %get3A_79 {add = true} : memref<100352xf32, #tpu.memory_space<vmem>>[vector<16xi32>], vector<16xf32>,
    }
    %scan3A_38 = arith.constant 50 : i32
    %mul3A_39 = arith.constant 16 : i32
    %mul3A_40 = arith.muli %arg0, %mul3A_39 : i32
    %add3A_41 = arith.addi %mul3A_40, %arg1 : i32
    %mul3A_42 = arith.constant 100352 : i32
    %mul3A_43 = arith.muli %add3A_41, %mul3A_42 : i32
    "tpu.region"() ({
      %run_scoped3A = tpu.sem_alloc : memref<!tpu.dma_semaphore, #tpu.memory_space<semaphore_mem>>
      %dma_start3A_44 = tpu.memref_slice %arg4[%mul3A_43] : memref<3211264xf32, #tpu.memory_space<hbm>> -> memref<100352xf32, #tpu.memory_space<hbm>>
      %dma_start3A_45 = tpu.memref_slice %arg4[%mul3A_43] : memref<3211264xf32, #tpu.memory_space<hbm>> -> memref<100352xf32, #tpu.memory_space<hbm>>
      tpu.enqueue_dma source(%arg5 : memref<100352xf32, #tpu.memory_space<vmem>>) target(%dma_start3A_45 : memref<100352xf32, #tpu.memory_space<hbm>>) target_semaphore(%run_scoped3A : memref<!tpu.dma_semaphore, #tpu.memory_space<semaphore_mem>>)
      %dma_wait3A_46 = tpu.memref_slice %arg4[%mul3A_43] : memref<3211264xf32, #tpu.memory_space<hbm>> -> memref<100352xf32, #tpu.memory_space<hbm>>
      %dma_wait3A_47 = tpu.memref_slice %arg4[%mul3A_43] : memref<3211264xf32, #tpu.memory_space<hbm>> -> memref<100352xf32, #tpu.memory_space<hbm>>
      tpu.wait_dma2 semaphore(%run_scoped3A : memref<!tpu.dma_semaphore, #tpu.memory_space<semaphore_mem>>) src(%arg5 : memref<100352xf32, #tpu.memory_space<vmem>>) dst(%dma_wait3A_47 : memref<100352xf32, #tpu.memory_space<hbm>>)
      tpu.yield
    }) : () -> ()
    return
  }
}

#map = affine_map<(d0, d1) -> (0)>
module attributes {stable_mosaic.version = 14 : i64} {
  func.func @_edge_kernel(%arg0: i32, %arg1: i32, %arg2: memref<100352xi32, #tpu.memory_space<hbm>>, %arg3: memref<12800000xi32, #tpu.memory_space<hbm>>, %arg4: memref<6400000xf32, #tpu.memory_space<hbm>>, %arg5: memref<6400000xf32, #tpu.memory_space<hbm>>, %arg6: memref<100352xi32, #tpu.memory_space<vmem>>, %arg7: memref<1600xi32, #tpu.memory_space<vmem>>, %arg8: memref<1600xi32, #tpu.memory_space<vmem>>, %arg9: memref<1600xi32, #tpu.memory_space<vmem>>, %arg10: memref<1600xi32, #tpu.memory_space<vmem>>, %arg11: memref<1600xf32, #tpu.memory_space<vmem>>, %arg12: memref<1600xf32, #tpu.memory_space<vmem>>, %arg13: memref<1600xf32, #tpu.memory_space<vmem>>, %arg14: memref<1600xf32, #tpu.memory_space<vmem>>, %arg15: memref<!tpu.dma_semaphore, #tpu.memory_space<semaphore_mem>>, %arg16: memref<!tpu.dma_semaphore, #tpu.memory_space<semaphore_mem>>, %arg17: memref<!tpu.dma_semaphore, #tpu.memory_space<semaphore_mem>>, %arg18: memref<!tpu.dma_semaphore, #tpu.memory_space<semaphore_mem>>, %arg19: memref<!tpu.dma_semaphore, #tpu.memory_space<semaphore_mem>>, %arg20: memref<!tpu.dma_semaphore, #tpu.memory_space<semaphore_mem>>, %arg21: memref<!tpu.dma_semaphore, #tpu.memory_space<semaphore_mem>>, %arg22: memref<!tpu.dma_semaphore, #tpu.memory_space<semaphore_mem>>) attributes {dimension_semantics = [#tpu.dimension_semantics<core_parallel>, #tpu.dimension_semantics<subcore_parallel>], iteration_bounds = array<i64: 2, 16>, scalar_prefetch = 0 : i64, scratch_operands = 17 : i64, tpu.core_type = #tpu.core_type<sc_vector_subcore>, window_params = [{transform_indices = #map}, {transform_indices = #map}, {transform_indices = #map}, {transform_indices = #map}]} {
    %mul3A = arith.constant 16 : i32
    %mul3A_0 = arith.muli %arg0, %mul3A : i32
    %add3A = arith.addi %mul3A_0, %arg1 : i32
    "tpu.region"() ({
      %run_scoped3A = tpu.sem_alloc : memref<!tpu.dma_semaphore, #tpu.memory_space<semaphore_mem>>
      tpu.enqueue_dma source(%arg2 : memref<100352xi32, #tpu.memory_space<hbm>>) target(%arg6 : memref<100352xi32, #tpu.memory_space<vmem>>) target_semaphore(%run_scoped3A : memref<!tpu.dma_semaphore, #tpu.memory_space<semaphore_mem>>)
      tpu.wait_dma2 semaphore(%run_scoped3A : memref<!tpu.dma_semaphore, #tpu.memory_space<semaphore_mem>>) src(%arg2 : memref<100352xi32, #tpu.memory_space<hbm>>) dst(%arg6 : memref<100352xi32, #tpu.memory_space<vmem>>)
      tpu.yield
    }) : () -> ()
    %mul3A_1 = arith.constant 200000 : i32
    %mul3A_2 = arith.muli %add3A, %mul3A_1 : i32
    %add3A_3 = arith.constant 0 : i32
    %add3A_4 = arith.addi %mul3A_2, %add3A_3 : i32
    %dma_start3A = tpu.memref_slice %arg3[%add3A_4] : memref<12800000xi32, #tpu.memory_space<hbm>> -> memref<1600xi32, #tpu.memory_space<hbm>>
    %dma_start3A_5 = tpu.memref_slice %arg3[%add3A_4] : memref<12800000xi32, #tpu.memory_space<hbm>> -> memref<1600xi32, #tpu.memory_space<hbm>>
    tpu.enqueue_dma source(%dma_start3A_5 : memref<1600xi32, #tpu.memory_space<hbm>>) target(%arg7 : memref<1600xi32, #tpu.memory_space<vmem>>) target_semaphore(%arg15 : memref<!tpu.dma_semaphore, #tpu.memory_space<semaphore_mem>>)
    %add3A_6 = arith.constant 6400000 : i32
    %add3A_7 = arith.addi %add3A_6, %add3A_4 : i32
    %dma_start3A_8 = tpu.memref_slice %arg3[%add3A_7] : memref<12800000xi32, #tpu.memory_space<hbm>> -> memref<1600xi32, #tpu.memory_space<hbm>>
    %dma_start3A_9 = tpu.memref_slice %arg3[%add3A_7] : memref<12800000xi32, #tpu.memory_space<hbm>> -> memref<1600xi32, #tpu.memory_space<hbm>>
    tpu.enqueue_dma source(%dma_start3A_9 : memref<1600xi32, #tpu.memory_space<hbm>>) target(%arg9 : memref<1600xi32, #tpu.memory_space<vmem>>) target_semaphore(%arg17 : memref<!tpu.dma_semaphore, #tpu.memory_space<semaphore_mem>>)
    %dma_start3A_10 = tpu.memref_slice %arg4[%add3A_4] : memref<6400000xf32, #tpu.memory_space<hbm>> -> memref<1600xf32, #tpu.memory_space<hbm>>
    %dma_start3A_11 = tpu.memref_slice %arg4[%add3A_4] : memref<6400000xf32, #tpu.memory_space<hbm>> -> memref<1600xf32, #tpu.memory_space<hbm>>
    tpu.enqueue_dma source(%dma_start3A_11 : memref<1600xf32, #tpu.memory_space<hbm>>) target(%arg11 : memref<1600xf32, #tpu.memory_space<vmem>>) target_semaphore(%arg19 : memref<!tpu.dma_semaphore, #tpu.memory_space<semaphore_mem>>)
    %add3A_12 = arith.constant 1600 : i32
    %add3A_13 = arith.addi %mul3A_2, %add3A_12 : i32
    %dma_start3A_14 = tpu.memref_slice %arg3[%add3A_13] : memref<12800000xi32, #tpu.memory_space<hbm>> -> memref<1600xi32, #tpu.memory_space<hbm>>
    %dma_start3A_15 = tpu.memref_slice %arg3[%add3A_13] : memref<12800000xi32, #tpu.memory_space<hbm>> -> memref<1600xi32, #tpu.memory_space<hbm>>
    tpu.enqueue_dma source(%dma_start3A_15 : memref<1600xi32, #tpu.memory_space<hbm>>) target(%arg8 : memref<1600xi32, #tpu.memory_space<vmem>>) target_semaphore(%arg16 : memref<!tpu.dma_semaphore, #tpu.memory_space<semaphore_mem>>)
    %add3A_16 = arith.constant 6400000 : i32
    %add3A_17 = arith.addi %add3A_16, %add3A_13 : i32
    %dma_start3A_18 = tpu.memref_slice %arg3[%add3A_17] : memref<12800000xi32, #tpu.memory_space<hbm>> -> memref<1600xi32, #tpu.memory_space<hbm>>
    %dma_start3A_19 = tpu.memref_slice %arg3[%add3A_17] : memref<12800000xi32, #tpu.memory_space<hbm>> -> memref<1600xi32, #tpu.memory_space<hbm>>
    tpu.enqueue_dma source(%dma_start3A_19 : memref<1600xi32, #tpu.memory_space<hbm>>) target(%arg10 : memref<1600xi32, #tpu.memory_space<vmem>>) target_semaphore(%arg18 : memref<!tpu.dma_semaphore, #tpu.memory_space<semaphore_mem>>)
    %dma_start3A_20 = tpu.memref_slice %arg4[%add3A_13] : memref<6400000xf32, #tpu.memory_space<hbm>> -> memref<1600xf32, #tpu.memory_space<hbm>>
    %dma_start3A_21 = tpu.memref_slice %arg4[%add3A_13] : memref<6400000xf32, #tpu.memory_space<hbm>> -> memref<1600xf32, #tpu.memory_space<hbm>>
    tpu.enqueue_dma source(%dma_start3A_21 : memref<1600xf32, #tpu.memory_space<hbm>>) target(%arg12 : memref<1600xf32, #tpu.memory_space<vmem>>) target_semaphore(%arg20 : memref<!tpu.dma_semaphore, #tpu.memory_space<semaphore_mem>>)
    %scan3A = arith.constant 0 : i32
    %scan3A_22 = arith.constant 62 : i32
    %scan3A_23 = arith.addi %scan3A, %scan3A_22 : i32
    %scan3A_24 = arith.constant 1 : i32
    scf.for %scan3A_52 = %scan3A to %scan3A_23 step %scan3A_24  : i32 {
      %mul3A_53 = arith.constant 2 : i32
      %mul3A_54 = arith.muli %scan3A_52, %mul3A_53 : i32
      %add3A_55 = arith.constant 0 : i32
      %add3A_56 = arith.addi %add3A_55, %mul3A_54 : i32
      %add3A_57 = arith.constant 0 : i32
      %add3A_58 = arith.addi %add3A_56, %add3A_57 : i32
      %mul3A_59 = arith.constant 1600 : i32
      %mul3A_60 = arith.muli %add3A_58, %mul3A_59 : i32
      %add3A_61 = arith.addi %mul3A_2, %mul3A_60 : i32
      %dma_wait3A_62 = tpu.memref_slice %arg3[%add3A_61] : memref<12800000xi32, #tpu.memory_space<hbm>> -> memref<1600xi32, #tpu.memory_space<hbm>>
      %dma_wait3A_63 = tpu.memref_slice %arg3[%add3A_61] : memref<12800000xi32, #tpu.memory_space<hbm>> -> memref<1600xi32, #tpu.memory_space<hbm>>
      tpu.wait_dma2 semaphore(%arg15 : memref<!tpu.dma_semaphore, #tpu.memory_space<semaphore_mem>>) src(%dma_wait3A_63 : memref<1600xi32, #tpu.memory_space<hbm>>) dst(%arg7 : memref<1600xi32, #tpu.memory_space<vmem>>)
      %add3A_64 = arith.constant 6400000 : i32
      %add3A_65 = arith.addi %add3A_64, %add3A_61 : i32
      %dma_wait3A_66 = tpu.memref_slice %arg3[%add3A_65] : memref<12800000xi32, #tpu.memory_space<hbm>> -> memref<1600xi32, #tpu.memory_space<hbm>>
      %dma_wait3A_67 = tpu.memref_slice %arg3[%add3A_65] : memref<12800000xi32, #tpu.memory_space<hbm>> -> memref<1600xi32, #tpu.memory_space<hbm>>
      tpu.wait_dma2 semaphore(%arg17 : memref<!tpu.dma_semaphore, #tpu.memory_space<semaphore_mem>>) src(%dma_wait3A_67 : memref<1600xi32, #tpu.memory_space<hbm>>) dst(%arg9 : memref<1600xi32, #tpu.memory_space<vmem>>)
      %dma_wait3A_68 = tpu.memref_slice %arg4[%add3A_61] : memref<6400000xf32, #tpu.memory_space<hbm>> -> memref<1600xf32, #tpu.memory_space<hbm>>
      %dma_wait3A_69 = tpu.memref_slice %arg4[%add3A_61] : memref<6400000xf32, #tpu.memory_space<hbm>> -> memref<1600xf32, #tpu.memory_space<hbm>>
      tpu.wait_dma2 semaphore(%arg19 : memref<!tpu.dma_semaphore, #tpu.memory_space<semaphore_mem>>) src(%dma_wait3A_69 : memref<1600xf32, #tpu.memory_space<hbm>>) dst(%arg11 : memref<1600xf32, #tpu.memory_space<vmem>>)
      %ge3A = arith.constant 2 : i32
      %ge3A_70 = arith.cmpi sge, %add3A_58, %ge3A : i32
      %convert_element_type3A = arith.extui %ge3A_70 : i1 to i32
      %cond3A = arith.constant 0 : i32
      %cond3A_71 = arith.cmpi ne, %convert_element_type3A, %cond3A : i32
      scf.if %cond3A_71 {
        %sub3A = arith.constant 2 : i32
        %sub3A_117 = arith.subi %add3A_58, %sub3A : i32
        %mul3A_118 = arith.constant 1600 : i32
        %mul3A_119 = arith.muli %sub3A_117, %mul3A_118 : i32
        %add3A_120 = arith.addi %mul3A_2, %mul3A_119 : i32
        %dma_wait3A_121 = tpu.memref_slice %arg5[%add3A_120] : memref<6400000xf32, #tpu.memory_space<hbm>> -> memref<1600xf32, #tpu.memory_space<hbm>>
        %dma_wait3A_122 = tpu.memref_slice %arg5[%add3A_120] : memref<6400000xf32, #tpu.memory_space<hbm>> -> memref<1600xf32, #tpu.memory_space<hbm>>
        tpu.wait_dma2 semaphore(%arg21 : memref<!tpu.dma_semaphore, #tpu.memory_space<semaphore_mem>>) src(%arg13 : memref<1600xf32, #tpu.memory_space<vmem>>) dst(%dma_wait3A_122 : memref<1600xf32, #tpu.memory_space<hbm>>)
      } else {
      }
      %scan3A_72 = arith.constant 0 : i32
      %scan3A_73 = arith.constant 25 : i32
      %scan3A_74 = arith.addi %scan3A_72, %scan3A_73 : i32
      %scan3A_75 = arith.constant 1 : i32
      scf.for %scan3A_117 = %scan3A_72 to %scan3A_74 step %scan3A_75  : i32 {
        %mul3A_118 = arith.constant 1 : i32
        %mul3A_119 = arith.muli %scan3A_117, %mul3A_118 : i32
        %add3A_120 = arith.constant 0 : i32
        %add3A_121 = arith.addi %add3A_120, %mul3A_119 : i32
        %mul3A_122 = arith.constant 64 : i32
        %mul3A_123 = arith.muli %add3A_121, %mul3A_122 : i32
        %add3A_124 = arith.constant 0 : i32
        %add3A_125 = arith.addi %mul3A_123, %add3A_124 : i32
        %get3A = arith.index_cast %add3A_125 : i32 to index
        %get3A_126 = tpu.vector_load %arg7[%get3A] {strides = array<i32>} : memref<1600xi32, #tpu.memory_space<vmem>>, vector<16xi32>,
        %gather3A = tpu.vector_load_idx %arg6[%get3A_126] : memref<100352xi32, #tpu.memory_space<vmem>>[vector<16xi32>], vector<16xi32>,
        %get3A_127 = arith.index_cast %add3A_125 : i32 to index
        %get3A_128 = tpu.vector_load %arg9[%get3A_127] {strides = array<i32>} : memref<1600xi32, #tpu.memory_space<vmem>>, vector<16xi32>,
        %gather3A_129 = tpu.vector_load_idx %arg6[%get3A_128] : memref<100352xi32, #tpu.memory_space<vmem>>[vector<16xi32>], vector<16xi32>,
        %and3A = arith.constant -65536 : i32
        %and3A_130 = vector.broadcast %and3A : i32 to vector<16xi32>
        %and3A_131 = arith.andi %gather3A, %and3A_130 : vector<16xi32>
        %bitcast3A = vector.bitcast %and3A_131 : vector<16xi32> to vector<16xf32>
        %shift_left3A = arith.constant 16 : i32
        %shift_left3A_132 = vector.broadcast %shift_left3A : i32 to vector<16xi32>
        %shift_left3A_133 = arith.shli %gather3A_129, %shift_left3A_132 : vector<16xi32>
        %bitcast3A_134 = vector.bitcast %shift_left3A_133 : vector<16xi32> to vector<16xf32>
        %mul3A_135 = arith.mulf %bitcast3A, %bitcast3A_134 : vector<16xf32>
        %get3A_136 = arith.index_cast %add3A_125 : i32 to index
        %get3A_137 = tpu.vector_load %arg11[%get3A_136] {strides = array<i32>} : memref<1600xf32, #tpu.memory_space<vmem>>, vector<16xf32>,
        %mul3A_138 = arith.mulf %mul3A_135, %get3A_137 : vector<16xf32>
        %swap3A = arith.index_cast %add3A_125 : i32 to index
        %swap3A_139 = tpu.vector_load %arg13[%swap3A] {strides = array<i32>} : memref<1600xf32, #tpu.memory_space<vmem>>, vector<16xf32>,
        tpu.vector_store %arg13[%swap3A], %mul3A_138 {strides = array<i32>} : memref<1600xf32, #tpu.memory_space<vmem>>, vector<16xf32>,
        %mul3A_140 = arith.constant 64 : i32
        %mul3A_141 = arith.muli %add3A_121, %mul3A_140 : i32
        %add3A_142 = arith.constant 16 : i32
        %add3A_143 = arith.addi %mul3A_141, %add3A_142 : i32
        %get3A_144 = arith.index_cast %add3A_143 : i32 to index
        %get3A_145 = tpu.vector_load %arg7[%get3A_144] {strides = array<i32>} : memref<1600xi32, #tpu.memory_space<vmem>>, vector<16xi32>,
        %gather3A_146 = tpu.vector_load_idx %arg6[%get3A_145] : memref<100352xi32, #tpu.memory_space<vmem>>[vector<16xi32>], vector<16xi32>,
        %get3A_147 = arith.index_cast %add3A_143 : i32 to index
        %get3A_148 = tpu.vector_load %arg9[%get3A_147] {strides = array<i32>} : memref<1600xi32, #tpu.memory_space<vmem>>, vector<16xi32>,
        %gather3A_149 = tpu.vector_load_idx %arg6[%get3A_148] : memref<100352xi32, #tpu.memory_space<vmem>>[vector<16xi32>], vector<16xi32>,
        %and3A_150 = arith.constant -65536 : i32
        %and3A_151 = vector.broadcast %and3A_150 : i32 to vector<16xi32>
        %and3A_152 = arith.andi %gather3A_146, %and3A_151 : vector<16xi32>
        %bitcast3A_153 = vector.bitcast %and3A_152 : vector<16xi32> to vector<16xf32>
        %shift_left3A_154 = arith.constant 16 : i32
        %shift_left3A_155 = vector.broadcast %shift_left3A_154 : i32 to vector<16xi32>
        %shift_left3A_156 = arith.shli %gather3A_149, %shift_left3A_155 : vector<16xi32>
        %bitcast3A_157 = vector.bitcast %shift_left3A_156 : vector<16xi32> to vector<16xf32>
        %mul3A_158 = arith.mulf %bitcast3A_153, %bitcast3A_157 : vector<16xf32>
        %get3A_159 = arith.index_cast %add3A_143 : i32 to index
        %get3A_160 = tpu.vector_load %arg11[%get3A_159] {strides = array<i32>} : memref<1600xf32, #tpu.memory_space<vmem>>, vector<16xf32>,
        %mul3A_161 = arith.mulf %mul3A_158, %get3A_160 : vector<16xf32>
        %swap3A_162 = arith.index_cast %add3A_143 : i32 to index
        %swap3A_163 = tpu.vector_load %arg13[%swap3A_162] {strides = array<i32>} : memref<1600xf32, #tpu.memory_space<vmem>>, vector<16xf32>,
        tpu.vector_store %arg13[%swap3A_162], %mul3A_161 {strides = array<i32>} : memref<1600xf32, #tpu.memory_space<vmem>>, vector<16xf32>,
        %mul3A_164 = arith.constant 64 : i32
        %mul3A_165 = arith.muli %add3A_121, %mul3A_164 : i32
        %add3A_166 = arith.constant 32 : i32
        %add3A_167 = arith.addi %mul3A_165, %add3A_166 : i32
        %get3A_168 = arith.index_cast %add3A_167 : i32 to index
        %get3A_169 = tpu.vector_load %arg7[%get3A_168] {strides = array<i32>} : memref<1600xi32, #tpu.memory_space<vmem>>, vector<16xi32>,
        %gather3A_170 = tpu.vector_load_idx %arg6[%get3A_169] : memref<100352xi32, #tpu.memory_space<vmem>>[vector<16xi32>], vector<16xi32>,
        %get3A_171 = arith.index_cast %add3A_167 : i32 to index
        %get3A_172 = tpu.vector_load %arg9[%get3A_171] {strides = array<i32>} : memref<1600xi32, #tpu.memory_space<vmem>>, vector<16xi32>,
        %gather3A_173 = tpu.vector_load_idx %arg6[%get3A_172] : memref<100352xi32, #tpu.memory_space<vmem>>[vector<16xi32>], vector<16xi32>,
        %and3A_174 = arith.constant -65536 : i32
        %and3A_175 = vector.broadcast %and3A_174 : i32 to vector<16xi32>
        %and3A_176 = arith.andi %gather3A_170, %and3A_175 : vector<16xi32>
        %bitcast3A_177 = vector.bitcast %and3A_176 : vector<16xi32> to vector<16xf32>
        %shift_left3A_178 = arith.constant 16 : i32
        %shift_left3A_179 = vector.broadcast %shift_left3A_178 : i32 to vector<16xi32>
        %shift_left3A_180 = arith.shli %gather3A_173, %shift_left3A_179 : vector<16xi32>
        %bitcast3A_181 = vector.bitcast %shift_left3A_180 : vector<16xi32> to vector<16xf32>
        %mul3A_182 = arith.mulf %bitcast3A_177, %bitcast3A_181 : vector<16xf32>
        %get3A_183 = arith.index_cast %add3A_167 : i32 to index
        %get3A_184 = tpu.vector_load %arg11[%get3A_183] {strides = array<i32>} : memref<1600xf32, #tpu.memory_space<vmem>>, vector<16xf32>,
        %mul3A_185 = arith.mulf %mul3A_182, %get3A_184 : vector<16xf32>
        %swap3A_186 = arith.index_cast %add3A_167 : i32 to index
        %swap3A_187 = tpu.vector_load %arg13[%swap3A_186] {strides = array<i32>} : memref<1600xf32, #tpu.memory_space<vmem>>, vector<16xf32>,
        tpu.vector_store %arg13[%swap3A_186], %mul3A_185 {strides = array<i32>} : memref<1600xf32, #tpu.memory_space<vmem>>, vector<16xf32>,
        %mul3A_188 = arith.constant 64 : i32
        %mul3A_189 = arith.muli %add3A_121, %mul3A_188 : i32
        %add3A_190 = arith.constant 48 : i32
        %add3A_191 = arith.addi %mul3A_189, %add3A_190 : i32
        %get3A_192 = arith.index_cast %add3A_191 : i32 to index
        %get3A_193 = tpu.vector_load %arg7[%get3A_192] {strides = array<i32>} : memref<1600xi32, #tpu.memory_space<vmem>>, vector<16xi32>,
        %gather3A_194 = tpu.vector_load_idx %arg6[%get3A_193] : memref<100352xi32, #tpu.memory_space<vmem>>[vector<16xi32>], vector<16xi32>,
        %get3A_195 = arith.index_cast %add3A_191 : i32 to index
        %get3A_196 = tpu.vector_load %arg9[%get3A_195] {strides = array<i32>} : memref<1600xi32, #tpu.memory_space<vmem>>, vector<16xi32>,
        %gather3A_197 = tpu.vector_load_idx %arg6[%get3A_196] : memref<100352xi32, #tpu.memory_space<vmem>>[vector<16xi32>], vector<16xi32>,
        %and3A_198 = arith.constant -65536 : i32
        %and3A_199 = vector.broadcast %and3A_198 : i32 to vector<16xi32>
        %and3A_200 = arith.andi %gather3A_194, %and3A_199 : vector<16xi32>
        %bitcast3A_201 = vector.bitcast %and3A_200 : vector<16xi32> to vector<16xf32>
        %shift_left3A_202 = arith.constant 16 : i32
        %shift_left3A_203 = vector.broadcast %shift_left3A_202 : i32 to vector<16xi32>
        %shift_left3A_204 = arith.shli %gather3A_197, %shift_left3A_203 : vector<16xi32>
        %bitcast3A_205 = vector.bitcast %shift_left3A_204 : vector<16xi32> to vector<16xf32>
        %mul3A_206 = arith.mulf %bitcast3A_201, %bitcast3A_205 : vector<16xf32>
        %get3A_207 = arith.index_cast %add3A_191 : i32 to index
        %get3A_208 = tpu.vector_load %arg11[%get3A_207] {strides = array<i32>} : memref<1600xf32, #tpu.memory_space<vmem>>, vector<16xf32>,
        %mul3A_209 = arith.mulf %mul3A_206, %get3A_208 : vector<16xf32>
        %swap3A_210 = arith.index_cast %add3A_191 : i32 to index
        %swap3A_211 = tpu.vector_load %arg13[%swap3A_210] {strides = array<i32>} : memref<1600xf32, #tpu.memory_space<vmem>>, vector<16xf32>,
        tpu.vector_store %arg13[%swap3A_210], %mul3A_209 {strides = array<i32>} : memref<1600xf32, #tpu.memory_space<vmem>>, vector<16xf32>,
      }
      %scan3A_76 = arith.constant 25 : i32
      %dma_start3A_77 = tpu.memref_slice %arg5[%add3A_61] : memref<6400000xf32, #tpu.memory_space<hbm>> -> memref<1600xf32, #tpu.memory_space<hbm>>
      %dma_start3A_78 = tpu.memref_slice %arg5[%add3A_61] : memref<6400000xf32, #tpu.memory_space<hbm>> -> memref<1600xf32, #tpu.memory_space<hbm>>
      tpu.enqueue_dma source(%arg13 : memref<1600xf32, #tpu.memory_space<vmem>>) target(%dma_start3A_78 : memref<1600xf32, #tpu.memory_space<hbm>>) target_semaphore(%arg21 : memref<!tpu.dma_semaphore, #tpu.memory_space<semaphore_mem>>)
      %add3A_79 = arith.constant 2 : i32
      %add3A_80 = arith.addi %add3A_58, %add3A_79 : i32
      %lt3A = arith.constant 125 : i32
      %lt3A_81 = arith.cmpi slt, %add3A_80, %lt3A : i32
      %convert_element_type3A_82 = arith.extui %lt3A_81 : i1 to i32
      %cond3A_83 = arith.constant 0 : i32
      %cond3A_84 = arith.cmpi ne, %convert_element_type3A_82, %cond3A_83 : i32
      scf.if %cond3A_84 {
        %mul3A_117 = arith.constant 1600 : i32
        %mul3A_118 = arith.muli %add3A_80, %mul3A_117 : i32
        %add3A_119 = arith.addi %mul3A_2, %mul3A_118 : i32
        %dma_start3A_120 = tpu.memref_slice %arg3[%add3A_119] : memref<12800000xi32, #tpu.memory_space<hbm>> -> memref<1600xi32, #tpu.memory_space<hbm>>
        %dma_start3A_121 = tpu.memref_slice %arg3[%add3A_119] : memref<12800000xi32, #tpu.memory_space<hbm>> -> memref<1600xi32, #tpu.memory_space<hbm>>
        tpu.enqueue_dma source(%dma_start3A_121 : memref<1600xi32, #tpu.memory_space<hbm>>) target(%arg7 : memref<1600xi32, #tpu.memory_space<vmem>>) target_semaphore(%arg15 : memref<!tpu.dma_semaphore, #tpu.memory_space<semaphore_mem>>)
        %add3A_122 = arith.constant 6400000 : i32
        %add3A_123 = arith.addi %add3A_122, %add3A_119 : i32
        %dma_start3A_124 = tpu.memref_slice %arg3[%add3A_123] : memref<12800000xi32, #tpu.memory_space<hbm>> -> memref<1600xi32, #tpu.memory_space<hbm>>
        %dma_start3A_125 = tpu.memref_slice %arg3[%add3A_123] : memref<12800000xi32, #tpu.memory_space<hbm>> -> memref<1600xi32, #tpu.memory_space<hbm>>
        tpu.enqueue_dma source(%dma_start3A_125 : memref<1600xi32, #tpu.memory_space<hbm>>) target(%arg9 : memref<1600xi32, #tpu.memory_space<vmem>>) target_semaphore(%arg17 : memref<!tpu.dma_semaphore, #tpu.memory_space<semaphore_mem>>)
        %dma_start3A_126 = tpu.memref_slice %arg4[%add3A_119] : memref<6400000xf32, #tpu.memory_space<hbm>> -> memref<1600xf32, #tpu.memory_space<hbm>>
        %dma_start3A_127 = tpu.memref_slice %arg4[%add3A_119] : memref<6400000xf32, #tpu.memory_space<hbm>> -> memref<1600xf32, #tpu.memory_space<hbm>>
        tpu.enqueue_dma source(%dma_start3A_127 : memref<1600xf32, #tpu.memory_space<hbm>>) target(%arg11 : memref<1600xf32, #tpu.memory_space<vmem>>) target_semaphore(%arg19 : memref<!tpu.dma_semaphore, #tpu.memory_space<semaphore_mem>>)
      } else {
      }
      %add3A_85 = arith.constant 1 : i32
      %add3A_86 = arith.addi %add3A_56, %add3A_85 : i32
      %mul3A_87 = arith.constant 1600 : i32
      %mul3A_88 = arith.muli %add3A_86, %mul3A_87 : i32
      %add3A_89 = arith.addi %mul3A_2, %mul3A_88 : i32
      %dma_wait3A_90 = tpu.memref_slice %arg3[%add3A_89] : memref<12800000xi32, #tpu.memory_space<hbm>> -> memref<1600xi32, #tpu.memory_space<hbm>>
      %dma_wait3A_91 = tpu.memref_slice %arg3[%add3A_89] : memref<12800000xi32, #tpu.memory_space<hbm>> -> memref<1600xi32, #tpu.memory_space<hbm>>
      tpu.wait_dma2 semaphore(%arg16 : memref<!tpu.dma_semaphore, #tpu.memory_space<semaphore_mem>>) src(%dma_wait3A_91 : memref<1600xi32, #tpu.memory_space<hbm>>) dst(%arg8 : memref<1600xi32, #tpu.memory_space<vmem>>)
      %add3A_92 = arith.constant 6400000 : i32
      %add3A_93 = arith.addi %add3A_92, %add3A_89 : i32
      %dma_wait3A_94 = tpu.memref_slice %arg3[%add3A_93] : memref<12800000xi32, #tpu.memory_space<hbm>> -> memref<1600xi32, #tpu.memory_space<hbm>>
      %dma_wait3A_95 = tpu.memref_slice %arg3[%add3A_93] : memref<12800000xi32, #tpu.memory_space<hbm>> -> memref<1600xi32, #tpu.memory_space<hbm>>
      tpu.wait_dma2 semaphore(%arg18 : memref<!tpu.dma_semaphore, #tpu.memory_space<semaphore_mem>>) src(%dma_wait3A_95 : memref<1600xi32, #tpu.memory_space<hbm>>) dst(%arg10 : memref<1600xi32, #tpu.memory_space<vmem>>)
      %dma_wait3A_96 = tpu.memref_slice %arg4[%add3A_89] : memref<6400000xf32, #tpu.memory_space<hbm>> -> memref<1600xf32, #tpu.memory_space<hbm>>
      %dma_wait3A_97 = tpu.memref_slice %arg4[%add3A_89] : memref<6400000xf32, #tpu.memory_space<hbm>> -> memref<1600xf32, #tpu.memory_space<hbm>>
      tpu.wait_dma2 semaphore(%arg20 : memref<!tpu.dma_semaphore, #tpu.memory_space<semaphore_mem>>) src(%dma_wait3A_97 : memref<1600xf32, #tpu.memory_space<hbm>>) dst(%arg12 : memref<1600xf32, #tpu.memory_space<vmem>>)
      %ge3A_98 = arith.constant 2 : i32
      %ge3A_99 = arith.cmpi sge, %add3A_86, %ge3A_98 : i32
      %convert_element_type3A_100 = arith.extui %ge3A_99 : i1 to i32
      %cond3A_101 = arith.constant 0 : i32
      %cond3A_102 = arith.cmpi ne, %convert_element_type3A_100, %cond3A_101 : i32
      scf.if %cond3A_102 {
        %sub3A = arith.constant 2 : i32
        %sub3A_117 = arith.subi %add3A_86, %sub3A : i32
        %mul3A_118 = arith.constant 1600 : i32
        %mul3A_119 = arith.muli %sub3A_117, %mul3A_118 : i32
        %add3A_120 = arith.addi %mul3A_2, %mul3A_119 : i32
        %dma_wait3A_121 = tpu.memref_slice %arg5[%add3A_120] : memref<6400000xf32, #tpu.memory_space<hbm>> -> memref<1600xf32, #tpu.memory_space<hbm>>
        %dma_wait3A_122 = tpu.memref_slice %arg5[%add3A_120] : memref<6400000xf32, #tpu.memory_space<hbm>> -> memref<1600xf32, #tpu.memory_space<hbm>>
        tpu.wait_dma2 semaphore(%arg22 : memref<!tpu.dma_semaphore, #tpu.memory_space<semaphore_mem>>) src(%arg14 : memref<1600xf32, #tpu.memory_space<vmem>>) dst(%dma_wait3A_122 : memref<1600xf32, #tpu.memory_space<hbm>>)
      } else {
      }
      %scan3A_103 = arith.constant 0 : i32
      %scan3A_104 = arith.constant 25 : i32
      %scan3A_105 = arith.addi %scan3A_103, %scan3A_104 : i32
      %scan3A_106 = arith.constant 1 : i32
      scf.for %scan3A_117 = %scan3A_103 to %scan3A_105 step %scan3A_106  : i32 {
        %mul3A_118 = arith.constant 1 : i32
        %mul3A_119 = arith.muli %scan3A_117, %mul3A_118 : i32
        %add3A_120 = arith.constant 0 : i32
        %add3A_121 = arith.addi %add3A_120, %mul3A_119 : i32
        %mul3A_122 = arith.constant 64 : i32
        %mul3A_123 = arith.muli %add3A_121, %mul3A_122 : i32
        %add3A_124 = arith.constant 0 : i32
        %add3A_125 = arith.addi %mul3A_123, %add3A_124 : i32
        %get3A = arith.index_cast %add3A_125 : i32 to index
        %get3A_126 = tpu.vector_load %arg8[%get3A] {strides = array<i32>} : memref<1600xi32, #tpu.memory_space<vmem>>, vector<16xi32>,
        %gather3A = tpu.vector_load_idx %arg6[%get3A_126] : memref<100352xi32, #tpu.memory_space<vmem>>[vector<16xi32>], vector<16xi32>,
        %get3A_127 = arith.index_cast %add3A_125 : i32 to index
        %get3A_128 = tpu.vector_load %arg10[%get3A_127] {strides = array<i32>} : memref<1600xi32, #tpu.memory_space<vmem>>, vector<16xi32>,
        %gather3A_129 = tpu.vector_load_idx %arg6[%get3A_128] : memref<100352xi32, #tpu.memory_space<vmem>>[vector<16xi32>], vector<16xi32>,
        %and3A = arith.constant -65536 : i32
        %and3A_130 = vector.broadcast %and3A : i32 to vector<16xi32>
        %and3A_131 = arith.andi %gather3A, %and3A_130 : vector<16xi32>
        %bitcast3A = vector.bitcast %and3A_131 : vector<16xi32> to vector<16xf32>
        %shift_left3A = arith.constant 16 : i32
        %shift_left3A_132 = vector.broadcast %shift_left3A : i32 to vector<16xi32>
        %shift_left3A_133 = arith.shli %gather3A_129, %shift_left3A_132 : vector<16xi32>
        %bitcast3A_134 = vector.bitcast %shift_left3A_133 : vector<16xi32> to vector<16xf32>
        %mul3A_135 = arith.mulf %bitcast3A, %bitcast3A_134 : vector<16xf32>
        %get3A_136 = arith.index_cast %add3A_125 : i32 to index
        %get3A_137 = tpu.vector_load %arg12[%get3A_136] {strides = array<i32>} : memref<1600xf32, #tpu.memory_space<vmem>>, vector<16xf32>,
        %mul3A_138 = arith.mulf %mul3A_135, %get3A_137 : vector<16xf32>
        %swap3A = arith.index_cast %add3A_125 : i32 to index
        %swap3A_139 = tpu.vector_load %arg14[%swap3A] {strides = array<i32>} : memref<1600xf32, #tpu.memory_space<vmem>>, vector<16xf32>,
        tpu.vector_store %arg14[%swap3A], %mul3A_138 {strides = array<i32>} : memref<1600xf32, #tpu.memory_space<vmem>>, vector<16xf32>,
        %mul3A_140 = arith.constant 64 : i32
        %mul3A_141 = arith.muli %add3A_121, %mul3A_140 : i32
        %add3A_142 = arith.constant 16 : i32
        %add3A_143 = arith.addi %mul3A_141, %add3A_142 : i32
        %get3A_144 = arith.index_cast %add3A_143 : i32 to index
        %get3A_145 = tpu.vector_load %arg8[%get3A_144] {strides = array<i32>} : memref<1600xi32, #tpu.memory_space<vmem>>, vector<16xi32>,
        %gather3A_146 = tpu.vector_load_idx %arg6[%get3A_145] : memref<100352xi32, #tpu.memory_space<vmem>>[vector<16xi32>], vector<16xi32>,
        %get3A_147 = arith.index_cast %add3A_143 : i32 to index
        %get3A_148 = tpu.vector_load %arg10[%get3A_147] {strides = array<i32>} : memref<1600xi32, #tpu.memory_space<vmem>>, vector<16xi32>,
        %gather3A_149 = tpu.vector_load_idx %arg6[%get3A_148] : memref<100352xi32, #tpu.memory_space<vmem>>[vector<16xi32>], vector<16xi32>,
        %and3A_150 = arith.constant -65536 : i32
        %and3A_151 = vector.broadcast %and3A_150 : i32 to vector<16xi32>
        %and3A_152 = arith.andi %gather3A_146, %and3A_151 : vector<16xi32>
        %bitcast3A_153 = vector.bitcast %and3A_152 : vector<16xi32> to vector<16xf32>
        %shift_left3A_154 = arith.constant 16 : i32
        %shift_left3A_155 = vector.broadcast %shift_left3A_154 : i32 to vector<16xi32>
        %shift_left3A_156 = arith.shli %gather3A_149, %shift_left3A_155 : vector<16xi32>
        %bitcast3A_157 = vector.bitcast %shift_left3A_156 : vector<16xi32> to vector<16xf32>
        %mul3A_158 = arith.mulf %bitcast3A_153, %bitcast3A_157 : vector<16xf32>
        %get3A_159 = arith.index_cast %add3A_143 : i32 to index
        %get3A_160 = tpu.vector_load %arg12[%get3A_159] {strides = array<i32>} : memref<1600xf32, #tpu.memory_space<vmem>>, vector<16xf32>,
        %mul3A_161 = arith.mulf %mul3A_158, %get3A_160 : vector<16xf32>
        %swap3A_162 = arith.index_cast %add3A_143 : i32 to index
        %swap3A_163 = tpu.vector_load %arg14[%swap3A_162] {strides = array<i32>} : memref<1600xf32, #tpu.memory_space<vmem>>, vector<16xf32>,
        tpu.vector_store %arg14[%swap3A_162], %mul3A_161 {strides = array<i32>} : memref<1600xf32, #tpu.memory_space<vmem>>, vector<16xf32>,
        %mul3A_164 = arith.constant 64 : i32
        %mul3A_165 = arith.muli %add3A_121, %mul3A_164 : i32
        %add3A_166 = arith.constant 32 : i32
        %add3A_167 = arith.addi %mul3A_165, %add3A_166 : i32
        %get3A_168 = arith.index_cast %add3A_167 : i32 to index
        %get3A_169 = tpu.vector_load %arg8[%get3A_168] {strides = array<i32>} : memref<1600xi32, #tpu.memory_space<vmem>>, vector<16xi32>,
        %gather3A_170 = tpu.vector_load_idx %arg6[%get3A_169] : memref<100352xi32, #tpu.memory_space<vmem>>[vector<16xi32>], vector<16xi32>,
        %get3A_171 = arith.index_cast %add3A_167 : i32 to index
        %get3A_172 = tpu.vector_load %arg10[%get3A_171] {strides = array<i32>} : memref<1600xi32, #tpu.memory_space<vmem>>, vector<16xi32>,
        %gather3A_173 = tpu.vector_load_idx %arg6[%get3A_172] : memref<100352xi32, #tpu.memory_space<vmem>>[vector<16xi32>], vector<16xi32>,
        %and3A_174 = arith.constant -65536 : i32
        %and3A_175 = vector.broadcast %and3A_174 : i32 to vector<16xi32>
        %and3A_176 = arith.andi %gather3A_170, %and3A_175 : vector<16xi32>
        %bitcast3A_177 = vector.bitcast %and3A_176 : vector<16xi32> to vector<16xf32>
        %shift_left3A_178 = arith.constant 16 : i32
        %shift_left3A_179 = vector.broadcast %shift_left3A_178 : i32 to vector<16xi32>
        %shift_left3A_180 = arith.shli %gather3A_173, %shift_left3A_179 : vector<16xi32>
        %bitcast3A_181 = vector.bitcast %shift_left3A_180 : vector<16xi32> to vector<16xf32>
        %mul3A_182 = arith.mulf %bitcast3A_177, %bitcast3A_181 : vector<16xf32>
        %get3A_183 = arith.index_cast %add3A_167 : i32 to index
        %get3A_184 = tpu.vector_load %arg12[%get3A_183] {strides = array<i32>} : memref<1600xf32, #tpu.memory_space<vmem>>, vector<16xf32>,
        %mul3A_185 = arith.mulf %mul3A_182, %get3A_184 : vector<16xf32>
        %swap3A_186 = arith.index_cast %add3A_167 : i32 to index
        %swap3A_187 = tpu.vector_load %arg14[%swap3A_186] {strides = array<i32>} : memref<1600xf32, #tpu.memory_space<vmem>>, vector<16xf32>,
        tpu.vector_store %arg14[%swap3A_186], %mul3A_185 {strides = array<i32>} : memref<1600xf32, #tpu.memory_space<vmem>>, vector<16xf32>,
        %mul3A_188 = arith.constant 64 : i32
        %mul3A_189 = arith.muli %add3A_121, %mul3A_188 : i32
        %add3A_190 = arith.constant 48 : i32
        %add3A_191 = arith.addi %mul3A_189, %add3A_190 : i32
        %get3A_192 = arith.index_cast %add3A_191 : i32 to index
        %get3A_193 = tpu.vector_load %arg8[%get3A_192] {strides = array<i32>} : memref<1600xi32, #tpu.memory_space<vmem>>, vector<16xi32>,
        %gather3A_194 = tpu.vector_load_idx %arg6[%get3A_193] : memref<100352xi32, #tpu.memory_space<vmem>>[vector<16xi32>], vector<16xi32>,
        %get3A_195 = arith.index_cast %add3A_191 : i32 to index
        %get3A_196 = tpu.vector_load %arg10[%get3A_195] {strides = array<i32>} : memref<1600xi32, #tpu.memory_space<vmem>>, vector<16xi32>,
        %gather3A_197 = tpu.vector_load_idx %arg6[%get3A_196] : memref<100352xi32, #tpu.memory_space<vmem>>[vector<16xi32>], vector<16xi32>,
        %and3A_198 = arith.constant -65536 : i32
        %and3A_199 = vector.broadcast %and3A_198 : i32 to vector<16xi32>
        %and3A_200 = arith.andi %gather3A_194, %and3A_199 : vector<16xi32>
        %bitcast3A_201 = vector.bitcast %and3A_200 : vector<16xi32> to vector<16xf32>
        %shift_left3A_202 = arith.constant 16 : i32
        %shift_left3A_203 = vector.broadcast %shift_left3A_202 : i32 to vector<16xi32>
        %shift_left3A_204 = arith.shli %gather3A_197, %shift_left3A_203 : vector<16xi32>
        %bitcast3A_205 = vector.bitcast %shift_left3A_204 : vector<16xi32> to vector<16xf32>
        %mul3A_206 = arith.mulf %bitcast3A_201, %bitcast3A_205 : vector<16xf32>
        %get3A_207 = arith.index_cast %add3A_191 : i32 to index
        %get3A_208 = tpu.vector_load %arg12[%get3A_207] {strides = array<i32>} : memref<1600xf32, #tpu.memory_space<vmem>>, vector<16xf32>,
        %mul3A_209 = arith.mulf %mul3A_206, %get3A_208 : vector<16xf32>
        %swap3A_210 = arith.index_cast %add3A_191 : i32 to index
        %swap3A_211 = tpu.vector_load %arg14[%swap3A_210] {strides = array<i32>} : memref<1600xf32, #tpu.memory_space<vmem>>, vector<16xf32>,
        tpu.vector_store %arg14[%swap3A_210], %mul3A_209 {strides = array<i32>} : memref<1600xf32, #tpu.memory_space<vmem>>, vector<16xf32>,
      }
      %scan3A_107 = arith.constant 25 : i32
      %dma_start3A_108 = tpu.memref_slice %arg5[%add3A_89] : memref<6400000xf32, #tpu.memory_space<hbm>> -> memref<1600xf32, #tpu.memory_space<hbm>>
      %dma_start3A_109 = tpu.memref_slice %arg5[%add3A_89] : memref<6400000xf32, #tpu.memory_space<hbm>> -> memref<1600xf32, #tpu.memory_space<hbm>>
      tpu.enqueue_dma source(%arg14 : memref<1600xf32, #tpu.memory_space<vmem>>) target(%dma_start3A_109 : memref<1600xf32, #tpu.memory_space<hbm>>) target_semaphore(%arg22 : memref<!tpu.dma_semaphore, #tpu.memory_space<semaphore_mem>>)
      %add3A_110 = arith.constant 2 : i32
      %add3A_111 = arith.addi %add3A_86, %add3A_110 : i32
      %lt3A_112 = arith.constant 125 : i32
      %lt3A_113 = arith.cmpi slt, %add3A_111, %lt3A_112 : i32
      %convert_element_type3A_114 = arith.extui %lt3A_113 : i1 to i32
      %cond3A_115 = arith.constant 0 : i32
      %cond3A_116 = arith.cmpi ne, %convert_element_type3A_114, %cond3A_115 : i32
      scf.if %cond3A_116 {
        %mul3A_117 = arith.constant 1600 : i32
        %mul3A_118 = arith.muli %add3A_111, %mul3A_117 : i32
        %add3A_119 = arith.addi %mul3A_2, %mul3A_118 : i32
        %dma_start3A_120 = tpu.memref_slice %arg3[%add3A_119] : memref<12800000xi32, #tpu.memory_space<hbm>> -> memref<1600xi32, #tpu.memory_space<hbm>>
        %dma_start3A_121 = tpu.memref_slice %arg3[%add3A_119] : memref<12800000xi32, #tpu.memory_space<hbm>> -> memref<1600xi32, #tpu.memory_space<hbm>>
        tpu.enqueue_dma source(%dma_start3A_121 : memref<1600xi32, #tpu.memory_space<hbm>>) target(%arg8 : memref<1600xi32, #tpu.memory_space<vmem>>) target_semaphore(%arg16 : memref<!tpu.dma_semaphore, #tpu.memory_space<semaphore_mem>>)
        %add3A_122 = arith.constant 6400000 : i32
        %add3A_123 = arith.addi %add3A_122, %add3A_119 : i32
        %dma_start3A_124 = tpu.memref_slice %arg3[%add3A_123] : memref<12800000xi32, #tpu.memory_space<hbm>> -> memref<1600xi32, #tpu.memory_space<hbm>>
        %dma_start3A_125 = tpu.memref_slice %arg3[%add3A_123] : memref<12800000xi32, #tpu.memory_space<hbm>> -> memref<1600xi32, #tpu.memory_space<hbm>>
        tpu.enqueue_dma source(%dma_start3A_125 : memref<1600xi32, #tpu.memory_space<hbm>>) target(%arg10 : memref<1600xi32, #tpu.memory_space<vmem>>) target_semaphore(%arg18 : memref<!tpu.dma_semaphore, #tpu.memory_space<semaphore_mem>>)
        %dma_start3A_126 = tpu.memref_slice %arg4[%add3A_119] : memref<6400000xf32, #tpu.memory_space<hbm>> -> memref<1600xf32, #tpu.memory_space<hbm>>
        %dma_start3A_127 = tpu.memref_slice %arg4[%add3A_119] : memref<6400000xf32, #tpu.memory_space<hbm>> -> memref<1600xf32, #tpu.memory_space<hbm>>
        tpu.enqueue_dma source(%dma_start3A_127 : memref<1600xf32, #tpu.memory_space<hbm>>) target(%arg12 : memref<1600xf32, #tpu.memory_space<vmem>>) target_semaphore(%arg20 : memref<!tpu.dma_semaphore, #tpu.memory_space<semaphore_mem>>)
      } else {
      }
    }
    %scan3A_25 = arith.constant 62 : i32
    %add3A_26 = arith.constant 198400 : i32
    %add3A_27 = arith.addi %mul3A_2, %add3A_26 : i32
    %dma_wait3A = tpu.memref_slice %arg3[%add3A_27] : memref<12800000xi32, #tpu.memory_space<hbm>> -> memref<1600xi32, #tpu.memory_space<hbm>>
    %dma_wait3A_28 = tpu.memref_slice %arg3[%add3A_27] : memref<12800000xi32, #tpu.memory_space<hbm>> -> memref<1600xi32, #tpu.memory_space<hbm>>
    tpu.wait_dma2 semaphore(%arg15 : memref<!tpu.dma_semaphore, #tpu.memory_space<semaphore_mem>>) src(%dma_wait3A_28 : memref<1600xi32, #tpu.memory_space<hbm>>) dst(%arg7 : memref<1600xi32, #tpu.memory_space<vmem>>)
    %add3A_29 = arith.constant 6400000 : i32
    %add3A_30 = arith.addi %add3A_29, %add3A_27 : i32
    %dma_wait3A_31 = tpu.memref_slice %arg3[%add3A_30] : memref<12800000xi32, #tpu.memory_space<hbm>> -> memref<1600xi32, #tpu.memory_space<hbm>>
    %dma_wait3A_32 = tpu.memref_slice %arg3[%add3A_30] : memref<12800000xi32, #tpu.memory_space<hbm>> -> memref<1600xi32, #tpu.memory_space<hbm>>
    tpu.wait_dma2 semaphore(%arg17 : memref<!tpu.dma_semaphore, #tpu.memory_space<semaphore_mem>>) src(%dma_wait3A_32 : memref<1600xi32, #tpu.memory_space<hbm>>) dst(%arg9 : memref<1600xi32, #tpu.memory_space<vmem>>)
    %dma_wait3A_33 = tpu.memref_slice %arg4[%add3A_27] : memref<6400000xf32, #tpu.memory_space<hbm>> -> memref<1600xf32, #tpu.memory_space<hbm>>
    %dma_wait3A_34 = tpu.memref_slice %arg4[%add3A_27] : memref<6400000xf32, #tpu.memory_space<hbm>> -> memref<1600xf32, #tpu.memory_space<hbm>>
    tpu.wait_dma2 semaphore(%arg19 : memref<!tpu.dma_semaphore, #tpu.memory_space<semaphore_mem>>) src(%dma_wait3A_34 : memref<1600xf32, #tpu.memory_space<hbm>>) dst(%arg11 : memref<1600xf32, #tpu.memory_space<vmem>>)
    %add3A_35 = arith.constant 195200 : i32
    %add3A_36 = arith.addi %mul3A_2, %add3A_35 : i32
    %dma_wait3A_37 = tpu.memref_slice %arg5[%add3A_36] : memref<6400000xf32, #tpu.memory_space<hbm>> -> memref<1600xf32, #tpu.memory_space<hbm>>
    %dma_wait3A_38 = tpu.memref_slice %arg5[%add3A_36] : memref<6400000xf32, #tpu.memory_space<hbm>> -> memref<1600xf32, #tpu.memory_space<hbm>>
    tpu.wait_dma2 semaphore(%arg21 : memref<!tpu.dma_semaphore, #tpu.memory_space<semaphore_mem>>) src(%arg13 : memref<1600xf32, #tpu.memory_space<vmem>>) dst(%dma_wait3A_38 : memref<1600xf32, #tpu.memory_space<hbm>>)
    %scan3A_39 = arith.constant 0 : i32
    %scan3A_40 = arith.constant 25 : i32
    %scan3A_41 = arith.addi %scan3A_39, %scan3A_40 : i32
    %scan3A_42 = arith.constant 1 : i32
    scf.for %scan3A_52 = %scan3A_39 to %scan3A_41 step %scan3A_42  : i32 {
      %mul3A_53 = arith.constant 1 : i32
      %mul3A_54 = arith.muli %scan3A_52, %mul3A_53 : i32
      %add3A_55 = arith.constant 0 : i32
      %add3A_56 = arith.addi %add3A_55, %mul3A_54 : i32
      %mul3A_57 = arith.constant 64 : i32
      %mul3A_58 = arith.muli %add3A_56, %mul3A_57 : i32
      %add3A_59 = arith.constant 0 : i32
      %add3A_60 = arith.addi %mul3A_58, %add3A_59 : i32
      %get3A = arith.index_cast %add3A_60 : i32 to index
      %get3A_61 = tpu.vector_load %arg7[%get3A] {strides = array<i32>} : memref<1600xi32, #tpu.memory_space<vmem>>, vector<16xi32>,
      %gather3A = tpu.vector_load_idx %arg6[%get3A_61] : memref<100352xi32, #tpu.memory_space<vmem>>[vector<16xi32>], vector<16xi32>,
      %get3A_62 = arith.index_cast %add3A_60 : i32 to index
      %get3A_63 = tpu.vector_load %arg9[%get3A_62] {strides = array<i32>} : memref<1600xi32, #tpu.memory_space<vmem>>, vector<16xi32>,
      %gather3A_64 = tpu.vector_load_idx %arg6[%get3A_63] : memref<100352xi32, #tpu.memory_space<vmem>>[vector<16xi32>], vector<16xi32>,
      %and3A = arith.constant -65536 : i32
      %and3A_65 = vector.broadcast %and3A : i32 to vector<16xi32>
      %and3A_66 = arith.andi %gather3A, %and3A_65 : vector<16xi32>
      %bitcast3A = vector.bitcast %and3A_66 : vector<16xi32> to vector<16xf32>
      %shift_left3A = arith.constant 16 : i32
      %shift_left3A_67 = vector.broadcast %shift_left3A : i32 to vector<16xi32>
      %shift_left3A_68 = arith.shli %gather3A_64, %shift_left3A_67 : vector<16xi32>
      %bitcast3A_69 = vector.bitcast %shift_left3A_68 : vector<16xi32> to vector<16xf32>
      %mul3A_70 = arith.mulf %bitcast3A, %bitcast3A_69 : vector<16xf32>
      %get3A_71 = arith.index_cast %add3A_60 : i32 to index
      %get3A_72 = tpu.vector_load %arg11[%get3A_71] {strides = array<i32>} : memref<1600xf32, #tpu.memory_space<vmem>>, vector<16xf32>,
      %mul3A_73 = arith.mulf %mul3A_70, %get3A_72 : vector<16xf32>
      %swap3A = arith.index_cast %add3A_60 : i32 to index
      %swap3A_74 = tpu.vector_load %arg13[%swap3A] {strides = array<i32>} : memref<1600xf32, #tpu.memory_space<vmem>>, vector<16xf32>,
      tpu.vector_store %arg13[%swap3A], %mul3A_73 {strides = array<i32>} : memref<1600xf32, #tpu.memory_space<vmem>>, vector<16xf32>,
      %mul3A_75 = arith.constant 64 : i32
      %mul3A_76 = arith.muli %add3A_56, %mul3A_75 : i32
      %add3A_77 = arith.constant 16 : i32
      %add3A_78 = arith.addi %mul3A_76, %add3A_77 : i32
      %get3A_79 = arith.index_cast %add3A_78 : i32 to index
      %get3A_80 = tpu.vector_load %arg7[%get3A_79] {strides = array<i32>} : memref<1600xi32, #tpu.memory_space<vmem>>, vector<16xi32>,
      %gather3A_81 = tpu.vector_load_idx %arg6[%get3A_80] : memref<100352xi32, #tpu.memory_space<vmem>>[vector<16xi32>], vector<16xi32>,
      %get3A_82 = arith.index_cast %add3A_78 : i32 to index
      %get3A_83 = tpu.vector_load %arg9[%get3A_82] {strides = array<i32>} : memref<1600xi32, #tpu.memory_space<vmem>>, vector<16xi32>,
      %gather3A_84 = tpu.vector_load_idx %arg6[%get3A_83] : memref<100352xi32, #tpu.memory_space<vmem>>[vector<16xi32>], vector<16xi32>,
      %and3A_85 = arith.constant -65536 : i32
      %and3A_86 = vector.broadcast %and3A_85 : i32 to vector<16xi32>
      %and3A_87 = arith.andi %gather3A_81, %and3A_86 : vector<16xi32>
      %bitcast3A_88 = vector.bitcast %and3A_87 : vector<16xi32> to vector<16xf32>
      %shift_left3A_89 = arith.constant 16 : i32
      %shift_left3A_90 = vector.broadcast %shift_left3A_89 : i32 to vector<16xi32>
      %shift_left3A_91 = arith.shli %gather3A_84, %shift_left3A_90 : vector<16xi32>
      %bitcast3A_92 = vector.bitcast %shift_left3A_91 : vector<16xi32> to vector<16xf32>
      %mul3A_93 = arith.mulf %bitcast3A_88, %bitcast3A_92 : vector<16xf32>
      %get3A_94 = arith.index_cast %add3A_78 : i32 to index
      %get3A_95 = tpu.vector_load %arg11[%get3A_94] {strides = array<i32>} : memref<1600xf32, #tpu.memory_space<vmem>>, vector<16xf32>,
      %mul3A_96 = arith.mulf %mul3A_93, %get3A_95 : vector<16xf32>
      %swap3A_97 = arith.index_cast %add3A_78 : i32 to index
      %swap3A_98 = tpu.vector_load %arg13[%swap3A_97] {strides = array<i32>} : memref<1600xf32, #tpu.memory_space<vmem>>, vector<16xf32>,
      tpu.vector_store %arg13[%swap3A_97], %mul3A_96 {strides = array<i32>} : memref<1600xf32, #tpu.memory_space<vmem>>, vector<16xf32>,
      %mul3A_99 = arith.constant 64 : i32
      %mul3A_100 = arith.muli %add3A_56, %mul3A_99 : i32
      %add3A_101 = arith.constant 32 : i32
      %add3A_102 = arith.addi %mul3A_100, %add3A_101 : i32
      %get3A_103 = arith.index_cast %add3A_102 : i32 to index
      %get3A_104 = tpu.vector_load %arg7[%get3A_103] {strides = array<i32>} : memref<1600xi32, #tpu.memory_space<vmem>>, vector<16xi32>,
      %gather3A_105 = tpu.vector_load_idx %arg6[%get3A_104] : memref<100352xi32, #tpu.memory_space<vmem>>[vector<16xi32>], vector<16xi32>,
      %get3A_106 = arith.index_cast %add3A_102 : i32 to index
      %get3A_107 = tpu.vector_load %arg9[%get3A_106] {strides = array<i32>} : memref<1600xi32, #tpu.memory_space<vmem>>, vector<16xi32>,
      %gather3A_108 = tpu.vector_load_idx %arg6[%get3A_107] : memref<100352xi32, #tpu.memory_space<vmem>>[vector<16xi32>], vector<16xi32>,
      %and3A_109 = arith.constant -65536 : i32
      %and3A_110 = vector.broadcast %and3A_109 : i32 to vector<16xi32>
      %and3A_111 = arith.andi %gather3A_105, %and3A_110 : vector<16xi32>
      %bitcast3A_112 = vector.bitcast %and3A_111 : vector<16xi32> to vector<16xf32>
      %shift_left3A_113 = arith.constant 16 : i32
      %shift_left3A_114 = vector.broadcast %shift_left3A_113 : i32 to vector<16xi32>
      %shift_left3A_115 = arith.shli %gather3A_108, %shift_left3A_114 : vector<16xi32>
      %bitcast3A_116 = vector.bitcast %shift_left3A_115 : vector<16xi32> to vector<16xf32>
      %mul3A_117 = arith.mulf %bitcast3A_112, %bitcast3A_116 : vector<16xf32>
      %get3A_118 = arith.index_cast %add3A_102 : i32 to index
      %get3A_119 = tpu.vector_load %arg11[%get3A_118] {strides = array<i32>} : memref<1600xf32, #tpu.memory_space<vmem>>, vector<16xf32>,
      %mul3A_120 = arith.mulf %mul3A_117, %get3A_119 : vector<16xf32>
      %swap3A_121 = arith.index_cast %add3A_102 : i32 to index
      %swap3A_122 = tpu.vector_load %arg13[%swap3A_121] {strides = array<i32>} : memref<1600xf32, #tpu.memory_space<vmem>>, vector<16xf32>,
      tpu.vector_store %arg13[%swap3A_121], %mul3A_120 {strides = array<i32>} : memref<1600xf32, #tpu.memory_space<vmem>>, vector<16xf32>,
      %mul3A_123 = arith.constant 64 : i32
      %mul3A_124 = arith.muli %add3A_56, %mul3A_123 : i32
      %add3A_125 = arith.constant 48 : i32
      %add3A_126 = arith.addi %mul3A_124, %add3A_125 : i32
      %get3A_127 = arith.index_cast %add3A_126 : i32 to index
      %get3A_128 = tpu.vector_load %arg7[%get3A_127] {strides = array<i32>} : memref<1600xi32, #tpu.memory_space<vmem>>, vector<16xi32>,
      %gather3A_129 = tpu.vector_load_idx %arg6[%get3A_128] : memref<100352xi32, #tpu.memory_space<vmem>>[vector<16xi32>], vector<16xi32>,
      %get3A_130 = arith.index_cast %add3A_126 : i32 to index
      %get3A_131 = tpu.vector_load %arg9[%get3A_130] {strides = array<i32>} : memref<1600xi32, #tpu.memory_space<vmem>>, vector<16xi32>,
      %gather3A_132 = tpu.vector_load_idx %arg6[%get3A_131] : memref<100352xi32, #tpu.memory_space<vmem>>[vector<16xi32>], vector<16xi32>,
      %and3A_133 = arith.constant -65536 : i32
      %and3A_134 = vector.broadcast %and3A_133 : i32 to vector<16xi32>
      %and3A_135 = arith.andi %gather3A_129, %and3A_134 : vector<16xi32>
      %bitcast3A_136 = vector.bitcast %and3A_135 : vector<16xi32> to vector<16xf32>
      %shift_left3A_137 = arith.constant 16 : i32
      %shift_left3A_138 = vector.broadcast %shift_left3A_137 : i32 to vector<16xi32>
      %shift_left3A_139 = arith.shli %gather3A_132, %shift_left3A_138 : vector<16xi32>
      %bitcast3A_140 = vector.bitcast %shift_left3A_139 : vector<16xi32> to vector<16xf32>
      %mul3A_141 = arith.mulf %bitcast3A_136, %bitcast3A_140 : vector<16xf32>
      %get3A_142 = arith.index_cast %add3A_126 : i32 to index
      %get3A_143 = tpu.vector_load %arg11[%get3A_142] {strides = array<i32>} : memref<1600xf32, #tpu.memory_space<vmem>>, vector<16xf32>,
      %mul3A_144 = arith.mulf %mul3A_141, %get3A_143 : vector<16xf32>
      %swap3A_145 = arith.index_cast %add3A_126 : i32 to index
      %swap3A_146 = tpu.vector_load %arg13[%swap3A_145] {strides = array<i32>} : memref<1600xf32, #tpu.memory_space<vmem>>, vector<16xf32>,
      tpu.vector_store %arg13[%swap3A_145], %mul3A_144 {strides = array<i32>} : memref<1600xf32, #tpu.memory_space<vmem>>, vector<16xf32>,
    }
    %scan3A_43 = arith.constant 25 : i32
    %dma_start3A_44 = tpu.memref_slice %arg5[%add3A_27] : memref<6400000xf32, #tpu.memory_space<hbm>> -> memref<1600xf32, #tpu.memory_space<hbm>>
    %dma_start3A_45 = tpu.memref_slice %arg5[%add3A_27] : memref<6400000xf32, #tpu.memory_space<hbm>> -> memref<1600xf32, #tpu.memory_space<hbm>>
    tpu.enqueue_dma source(%arg13 : memref<1600xf32, #tpu.memory_space<vmem>>) target(%dma_start3A_45 : memref<1600xf32, #tpu.memory_space<hbm>>) target_semaphore(%arg21 : memref<!tpu.dma_semaphore, #tpu.memory_space<semaphore_mem>>)
    %dma_wait3A_46 = tpu.memref_slice %arg5[%add3A_27] : memref<6400000xf32, #tpu.memory_space<hbm>> -> memref<1600xf32, #tpu.memory_space<hbm>>
    %dma_wait3A_47 = tpu.memref_slice %arg5[%add3A_27] : memref<6400000xf32, #tpu.memory_space<hbm>> -> memref<1600xf32, #tpu.memory_space<hbm>>
    tpu.wait_dma2 semaphore(%arg21 : memref<!tpu.dma_semaphore, #tpu.memory_space<semaphore_mem>>) src(%arg13 : memref<1600xf32, #tpu.memory_space<vmem>>) dst(%dma_wait3A_47 : memref<1600xf32, #tpu.memory_space<hbm>>)
    %add3A_48 = arith.constant 196800 : i32
    %add3A_49 = arith.addi %mul3A_2, %add3A_48 : i32
    %dma_wait3A_50 = tpu.memref_slice %arg5[%add3A_49] : memref<6400000xf32, #tpu.memory_space<hbm>> -> memref<1600xf32, #tpu.memory_space<hbm>>
    %dma_wait3A_51 = tpu.memref_slice %arg5[%add3A_49] : memref<6400000xf32, #tpu.memory_space<hbm>> -> memref<1600xf32, #tpu.memory_space<hbm>>
    tpu.wait_dma2 semaphore(%arg22 : memref<!tpu.dma_semaphore, #tpu.memory_space<semaphore_mem>>) src(%arg14 : memref<1600xf32, #tpu.memory_space<vmem>>) dst(%dma_wait3A_51 : memref<1600xf32, #tpu.memory_space<hbm>>)
    return
  }
}

module attributes {stable_mosaic.version = 14 : i64} {
  func.func @_norm_body(%arg0: memref<2x16x784x128xf32, #tpu.memory_space<vmem>>, %arg1: memref<784x128xi32, #tpu.memory_space<vmem>>) attributes {dimension_semantics = [], scalar_prefetch = 0 : i64, scratch_operands = 0 : i64, tpu.core_type = #tpu.core_type<tc>} {
    %get3A = arith.constant 0 : index
    %get3A_0 = arith.constant 0 : index
    %get3A_1 = arith.constant 0 : index
    %get3A_2 = arith.constant 0 : index
    %get3A_3 = vector.load %arg0[%get3A, %get3A_0, %get3A_1, %get3A_2] : memref<2x16x784x128xf32, #tpu.memory_space<vmem>>, vector<2x16x784x128xf32>
    %reduce_sum3A = arith.constant dense<0.000000e+00> : vector<2x784x128xf32>
    %reduce_sum3A_4 = vector.multi_reduction <add>, %get3A_3, %reduce_sum3A [1] : vector<2x16x784x128xf32> to vector<2x784x128xf32>
    %rsqrt3A = math.rsqrt %reduce_sum3A_4 : vector<2x784x128xf32>
    %convert_element_type3A = arith.truncf %rsqrt3A : vector<2x784x128xf32> to vector<2x784x128xbf16>
    %bitcast_convert_type3A = tpu.bitcast %convert_element_type3A : vector<2x784x128xbf16> -> vector<2x784x128xi16>
    %convert_element_type3A_5 = arith.extui %bitcast_convert_type3A : vector<2x784x128xi16> to vector<2x784x128xi32>
    %slice3A = vector.extract_strided_slice %convert_element_type3A_5 {offsets = [0, 0, 0], sizes = [1, 784, 128], strides = [1, 1, 1]} : vector<2x784x128xi32> to vector<1x784x128xi32>
    %squeeze3A = vector.shape_cast %slice3A : vector<1x784x128xi32> to vector<784x128xi32>
    %shift_left3A = arith.constant 16 : i32
    %shift_left3A_6 = vector.broadcast %shift_left3A : i32 to vector<784x128xi32>
    %shift_left3A_7 = arith.shli %squeeze3A, %shift_left3A_6 : vector<784x128xi32>
    %slice3A_8 = vector.extract_strided_slice %convert_element_type3A_5 {offsets = [1, 0, 0], sizes = [1, 784, 128], strides = [1, 1, 1]} : vector<2x784x128xi32> to vector<1x784x128xi32>
    %squeeze3A_9 = vector.shape_cast %slice3A_8 : vector<1x784x128xi32> to vector<784x128xi32>
    %or3A = arith.ori %shift_left3A_7, %squeeze3A_9 : vector<784x128xi32>
    %bitcast_convert_type3A_10 = tpu.bitcast %or3A : vector<784x128xi32> -> vector<784x128xi32>
    %swap3A = arith.constant 0 : index
    %swap3A_11 = arith.constant 0 : index
    %swap3A_12 = vector.load %arg1[%swap3A, %swap3A_11] : memref<784x128xi32, #tpu.memory_space<vmem>>, vector<784x128xi32>
    tpu.vector_store %arg1[%swap3A, %swap3A_11], %bitcast_convert_type3A_10 {strides = array<i32>} : memref<784x128xi32, #tpu.memory_space<vmem>>, vector<784x128xi32>,
    return
  }
}

</mosaic_0001>

<sc_bundles>
// kernel: kernel.5.cloned.1.call-start
scs
__scs_entry_jumppad:
0x0: {  	(pc) =	sbr.rel $0x88, $3  }
0x1: {  	(tag) =	ssettag $0x0;
	lr =	simm.s32 $0x1  }
0x2: {  	[smem:$0x3F9F] =	sst lr;
	_ =	strace $0xD0000000  }
0x3: {  	_ = 	snop  }
0x4: {  	_ = 	snop  }
0x5: {  	_ = 	snop  }
0x6: {  	_ = 	snop  }
0x7: {  	_ = 	snop  }
__scs_overlays_trampoline_lowered:
0x8: {  	[smem:$0x3FAE] =	sst s0  }
0x9: {  	[smem:$0x3FAF] =	sst s1  }
0xa: {  	[smem:$0x3FB0] =	sst s2  }
0xb: {  	[smem:$0x3FB1] =	sst s3  }
0xc: {  	[smem:$0x3FB2] =	sst s4  }
0xd: {  	[smem:$0x3FB3] =	sst s5  }
0xe: {  	[smem:$0x3FB4] =	sst s6  }
0xf: {  	[smem:$0x3FB5] =	sst s7  }
0x10: {  	[smem:$0x3FB6] =	sst s8  }
0x11: {  	[smem:$0x3FB7] =	sst s9;
	s0 =	simm.s32 @!p0 $0x0  }
0x12: {  	s1 =	sld [smem:$0x3F9D];
	s0 =	simm.s32 @p0 $0x1  }
0x13: {  	[smem:$0x3FB8] =	sst s0;
	s0 =	simm.s32 @!p1 $0x0  }
0x14: {  	s2 =	sld [smem:$0x3F9C];
	s0 =	simm.s32 @p1 $0x1  }
0x15: {  	[smem:$0x3FB9] =	sst s0;
	s0 =	simm.s32 @!p2 $0x0  }
0x16: {  	s3 =	sld [smem:$0x3FDB];
	s0 =	simm.s32 @p2 $0x1  }
0x17: {  	s4 =	simm.s32 $0x1BF5;
	[smem:$0x3FBB] =	sst s0  }
0x18: {  	s0 =	sld [smem:$0x3F9E];
	_ =	swait.ge [sflag:s4], $0x0  }
0x19: {  	s7 =	sld [smem:$0x3F9F]  }
0x1a: {  	s8 =	sadd.s32 $0xFFFFE003, lr  }
0x1b: {  	s9 =	sadd.s32 $0xFFFFFEF7, lr;
	s5 =	simm.s32 $0xFFFFFFFF;
	p2 =	slt.u32 s8, $0xFFFFF086  }
0x1c: {  	p1 =	slt.u32 s9, $0xF7A;
	s5 =	simm.s32 @!p2 $0x0  }
0x1d: {  	s5 =	simm.s32 @p1 $0x1;
	p0 =	seq.s32 s7, s2  }
0x1e: {  	s7 =	smul.u32 @!p0 $0xF7A, s2;
	p2 =	seq.s32 @!p0 s5, $0x0  }
0x1f: {  	s9 =	smul.u32 $0xF7A, s1;
	s8 =	simm.s32 @!p0 $0x1BF5;
	p2 =	por !p2, p0  }
0x20: {  	[sflag:s8] =	ssyncset.s32 @!p0 $0xFFFFF086;
	s6 =	sadd.s32 @!p0 s3, s7;
	s7 =	simm.s32 @!p0 $0x108  }
0x21: {  	s3 =	sadd.s32 s3, s9;
	s6 =	sadd.s32 @!p0 $0x88, s6;
	s7 =	simm.s32 @p2 $0x1082  }
0x22: {  	[simem:s7], [sflag:s8] =	dma.local @!p0 [hbm:s6], $0xF7A  }
0x23: {  	s9 =	sor.u32 $0xD0000000, s2;
	s6 =	simm.s32 $0x108;
	_ =	swait.ge @!p0 [sflag:s8], $0x0  }
0x24: {  	s3 =	sadd.s32 $0x88, s3;
	s6 =	simm.s32 @!p1 $0x1082;
	[sflag:s4] =	ssyncset.s32 $0xFFFFF086  }
0x25: {  	[simem:s6], [sflag:s4] =	dma.local [hbm:s3], $0xF7A  }
0x26: {  	[smem:$0x3F9F] =	sst s1;
	(tag) =	ssettag s2;
	_ =	strace s9  }
0x27: {  	s1 =	sld [smem:$0x3FAF]  }
0x28: {  	s2 =	sld [smem:$0x3FB0]  }
0x29: {  	s4 =	sld [smem:$0x3FB2]  }
0x2a: {  	p0 =	seq.s32 s5, $0x0;
	s5 =	sld [smem:$0x3FB3]  }
0x2b: {  	s6 =	sld [smem:$0x3FB4]  }
0x2c: {  	s7 =	sld [smem:$0x3FB5]  }
0x2d: {  	s3 =	simm.s32 $0x108;
	s8 =	sld [smem:$0x3FB6]  }
0x2e: {  	s3 =	simm.s32 @!p0 $0x1082;
	s9 =	sld [smem:$0x3FB7]  }
0x2f: {  	lr =	sadd.s32 s0, s3;
	s0 =	sld [smem:$0x3FAE]  }
0x30: {  	s3 =	sld [smem:$0x3FB1]  }
0x31: {  	[smem:$0x3FBA] =	sst s10  }
0x32: {  	s10 =	sld [smem:$0x3FB8];
	_ =	sdelay $0x3  }
0x33: {  	p0 =	seq.s32 s10, $0x1;
	s10 =	sld [smem:$0x3FBA];
	_ =	sdelay $0x3  }
0x34: {  	[smem:$0x3FBA] =	sst s10  }
0x35: {  	s10 =	sld [smem:$0x3FB9];
	_ =	sdelay $0x3  }
0x36: {  	p1 =	seq.s32 s10, $0x1;
	s10 =	sld [smem:$0x3FBA];
	_ =	sdelay $0x3  }
0x37: {  	[smem:$0x3FBA] =	sst s10  }
0x38: {  	s10 =	sld [smem:$0x3FBB]  }
0x39: {  	_ = 	snop;
	(pc) =	sbr.ind lr, $3  }
0x3a: {  	_ = 	snop  }
0x3b: {  	_ = 	snop  }
0x3c: {  	p2 =	seq.s32 s10, $0x1;
	s10 =	sld [smem:$0x3FBA]  }
0x3d: {  	_ =	shalt  }
0x3e: {  	_ =	shalt  }
0x3f: {  	_ =	shalt  }
0x40: {  	_ =	shalt  }
0x41: {  	_ =	shalt  }
0x42: {  	_ =	shalt  }
0x43: {  	_ =	shalt  }
0x44: {  	_ =	shalt  }
0x45: {  	_ =	shalt  }
0x46: {  	_ =	shalt  }
0x47: {  	_ =	shalt  }
0x48: {  	_ =	shalt  }
0x49: {  	_ =	shalt  }
0x4a: {  	_ =	shalt  }
0x4b: {  	_ =	shalt  }
0x4c: {  	_ =	shalt  }
0x4d: {  	_ =	shalt  }
0x4e: {  	_ =	shalt  }
0x4f: {  	_ =	shalt  }
0x50: {  	_ =	shalt  }
0x51: {  	_ =	shalt  }
0x52: {  	_ =	shalt  }
0x53: {  	_ =	shalt  }
0x54: {  	_ =	shalt  }
0x55: {  	_ =	shalt  }
0x56: {  	_ =	shalt  }
0x57: {  	_ =	shalt  }
0x58: {  	_ =	shalt  }
0x59: {  	_ =	shalt  }
0x5a: {  	_ =	shalt  }
0x5b: {  	_ =	shalt  }
0x5c: {  	_ =	shalt  }
0x5d: {  	_ =	shalt  }
0x5e: {  	_ =	shalt  }
0x5f: {  	_ =	shalt  }
0x60: {  	_ =	shalt  }
0x61: {  	_ =	shalt  }
0x62: {  	_ =	shalt  }
0x63: {  	_ =	shalt  }
0x64: {  	_ =	shalt  }
0x65: {  	_ =	shalt  }
0x66: {  	_ =	shalt  }
0x67: {  	_ =	shalt  }
0x68: {  	_ =	shalt  }
0x69: {  	_ =	shalt  }
0x6a: {  	_ =	shalt  }
0x6b: {  	_ =	shalt  }
0x6c: {  	_ =	shalt  }
0x6d: {  	_ =	shalt  }
0x6e: {  	_ =	shalt  }
0x6f: {  	_ =	shalt  }
0x70: {  	_ =	shalt  }
0x71: {  	_ =	shalt  }
0x72: {  	_ =	shalt  }
0x73: {  	_ =	shalt  }
0x74: {  	_ =	shalt  }
0x75: {  	_ =	shalt  }
0x76: {  	_ =	shalt  }
0x77: {  	_ =	shalt  }
0x78: {  	_ =	shalt  }
0x79: {  	_ =	shalt  }
0x7a: {  	_ =	shalt  }
0x7b: {  	_ =	shalt  }
0x7c: {  	_ =	shalt  }
0x7d: {  	_ =	shalt  }
0x7e: {  	_ =	shalt  }
0x7f: {  	_ =	shalt  }
0x80: {  	_ =	shalt  }
0x81: {  	_ =	shalt  }
0x82: {  	_ =	shalt  }
0x83: {  	_ =	shalt  }
0x84: {  	_ =	shalt  }
0x85: {  	_ =	shalt  }
0x86: {  	_ =	shalt  }
0x87: {  	_ =	shalt  }
.Lfunc_end0:
.L_simem_size_0:
called_computation.1_lowered:
.L_overlay_start_0:
0x88: {  	s2 =	sld [smem:$0x3FD9]  }
0x89: {  	s3 =	sld [smem:$0x3FFE];
	_ =	sdelay $0x1  }
0x8a: {  	s1 =	srdreg.scid  }
0x8b: {  	s0 =	sand.u32 $0x1, s1  }
0x8c: {  	s17 =	sshll.u32 s0, $0xA;
	s2 =	sadd.s32 s3, s2  }
0x8d: {  	s2 =	sadd.s32 s2, s17  }
0x8e: {  	[smem:$0x3FC6] =	sst s2  }
0x8f: {  	_ = 	snop  }
0x90: {  	s2 =	sld [smem:$0x3FC9]  }
0x91: {  	s18 =	sld [smem:$0x3FD0];
	(tm) =	ssettm $0x1  }
0x92: {  	s4 =	sld [smem:$0x3FFB];
	_ =	sdelay $0x3  }
0x93: {  	_ =	strace s4  }
0x94: {  	s4 =	sld [smem:$0x3FFC];
	_ =	sdelay $0x3  }
0x95: {  	_ =	strace s4  }
0x96: {  	s4 =	sld [smem:$0x3FFD];
	_ =	sdelay $0x3  }
0x97: {  	_ =	strace s4  }
0x98: {  	_ =	strace $0x8FFFFFFF  }
0x99: {  	s19 =	sld [smem:$0x3FDB];
	_ =	sdelay $0x1  }
0x9a: {  	s5 =	simm.s32 $_scs_section_size  }
0x9b: {  	s6 =	simm.s32 $_size__tile_overlayer_lowered;
	s7 =	simm.s32 $_tile_overlayer_lowered  }
0x9c: {  	s22 =	simm.s32 $0x1BFF;
	s21 =	sshll.u32 s7, $0x1;
	s4 =	sadd.s32 s5, s19  }
0x9d: {  	s8 =	simm.s32 $0x0;
	s20 =	sshll.u32 s6, $0x1;
	s6 =	sadd.s32 s21, s4  }
0x9e: {  	[timem:s8], [sflag:s22] =	dma.local [hbm:s6], s20  }
0x9f: {  	_ =	swait.ge [sflag:s22], s20  }
0xa0: {  	s5 =	ssub.s32 $0x0, s20;
	[sflag:s22] =	ssyncset.done $0x0  }
0xa1: {  	[sflag:s22] =	ssyncadd.s32 s5;
	_ =	sdelay $0x1  }
0xa2: {  	s23 =	simm.s32 $0x1B8B  }
0xa3: {  	_ =	swait.ge [sflag:s23], $0x1  }
0xa4: {  	[sflag:s23] =	ssyncset.done $0x0  }
0xa5: {  	s25 =	simm.s32 $0x1B8E;
	s24 =	sld [smem:$0x3FFE];
	[sflag:s23] =	ssyncadd.s32 $0xFFFFFFFF  }
0xa6: {  	s26 =	simm.s32 $execute0_lowered;
	[smem:$0x3FD2] =	sst s25  }
0xa7: {  	s6 =	sshll.u32 s26, $0x1;
	_ =	strace $0x80000049;
	[dreg:$0x1] =	wrdreg $0xFFFFFFFF  }
0xa8: {  	s28 =	simm.s32 $_size_execute0_lowered;
	s4 =	sadd.s32 s4, s6;
	[dreg:$0x0] =	wrdreg $0x0  }
0xa9: {  	s6 =	sshll.u32 s28, $0x1;
	[dreg:$0x2] =	wrdreg s4  }
0xaa: {  	[dreg:$0x3] =	wrdreg s6  }
0xab: {  	[dreg:$0x4] =	wrdreg $0xC0  }
0xac: {  	_ =	task [dreg:s8], $0x5FFFF  }
0xad: {  	[dreg:$0x1] =	wrdreg $0xFFFFFFFF  }
0xae: {  	[dreg:$0x0] =	wrdreg $0x60  }
0xaf: {  	[dreg:$0x2] =	wrdreg s24  }
0xb0: {  	[dreg:$0x3] =	wrdreg s2  }
0xb1: {  	[dreg:$0x4] =	wrdreg s18  }
0xb2: {  	[dreg:$0x5] =	wrdreg $0x9  }
0xb3: {  	_ =	task.clear_ibuf [dreg:s8], $0x6FFFF;
	_ =	strace $0x90000049  }
0xb4: {  	s29 =	simm.s32 $0x9;
	_ =	strace $0x8000004B  }
0xb5: {  	_ =	swait.ge [sflag:s29], $0x1  }
0xb6: {  	[sflag:s29] =	ssyncadd.s32 $0xFFFFFFFF  }
0xb7: {  	_ =	strace $0x9000004B  }
0xb8: {  	_ =	sfence  }
0xb9: {  	s30 =	sld [smem:$0x0];
	_ =	sdelay $0x2  }
0xba: {  	s31 =	sshll.u32 s1, $0xD;
	s1 =	sshrl.u32 s1, $0x2  }
0xbb: {  	s3 =	sand.u32 $0x4000, s31;
	s1 =	sadd.s32 s1, s30  }
0xbc: {  	s0 =	sor.u32 s3, s0;
	s1 =	sshll.u32 s1, $0x11  }
0xbd: {  	s0 =	sor.u32 s1, s0  }
0xbe: {  	s0 =	sadd.s32 $0x8F2B, s0  }
0xbf: {  	[sflag:s0] =	ssyncadd.remote.s32 $0x1  }
0xc0: {  	_ =	sfence.sel $0xFFFF  }
0xc1: {  	[dreg:$0x0] =	wrdreg $0xFFFFFFFF;
	(pc) =	sbr.abs _section_cstart, $3  }
0xc2: {  	[dreg:$0x1] =	wrdreg $0xFFFFFFFF  }
0xc3: {  	_ =	task.clear_ibuf [dreg:s8], $0x2FFFF;
	_ =	strace $0x9FFFFFFF  }
0xc4: {  	(tm) =	ssettm $0x7FFFFFFF  }
0xc5: {  	_ =	shalt  }
tec
execute0_lowered:
.L_overlay_start_1:
0x0: {  	(tag) =	ssettag $0x1  }
0x1: {  	s5 =	rddreg [dreg:$0x0]  }
0x2: {  	s2 =	rddreg [dreg:$0x1]  }
0x3: {  	s11 =	rddreg [dreg:$0x2]  }
0x4: {  	s0 =	rddreg [dreg:$0x3];
	s4 =	srdreg.scid  }
0x5: {  	s1 =	stileid.u32;
	s3 =	simm.s32 $0x0;
	s14 =	simm.s32 $0x1A100  }
0x6: {  	s15 =	simm.s32 $0x19480;
	s16 =	simm.s32 $0x1AD80;
	s17 =	simm.s32 $0x1  }
0x7: {  	s18 =	simm.s32 $0x3;
	s19 =	simm.s32 $0x2;
	s20 =	simm.s32 $0x4  }
0x8: {  	s21 =	simm.s32 $0x5;
	s22 =	simm.s32 $0x0;
	s7 =	sand.u32 $0x1, s4  }
0x9: {  	s4 =	smul.u32 $0x61A80, s1;
	[smem:$0x7FF] =	sst s3;
	s5 =	sadd.s32 $0x1000, s5  }
0xa: {  	s6 =	smul.u32 $0x61A800, s7;
	s9 =	ssub.s32 $0x2, s7;
	s7 =	sshll.u32 s7, $0x4  }
0xb: {  	_ =	strace $0x8000004A;
	s10 =	sshrl.u32 s9, $0x1;
	s13 =	sor.u32 s1, s7  }
0xc: {  	s12 =	sshrl.u32 s4, $0x3;
	s6 =	sadd.s32 s4, s6;
	s30 =	smul.u32 $0x3100, s13  }
0xd: {  	s31 =	ssub.s32 s9, s10;
	s13 =	simm.s32 $0x18800;
	s8 =	sshrl.u32 s6, $0x3  }
0xe: {  	s7 =	sadd.s32 s5, s8;
	s8 =	sadd.s32 s2, s12;
	s11 =	sadd.s32 s11, s30  }
0xf: {  	v0 =	vimm.f32 $0.0e+00;
	s12 =	smax.u32 s31, $0x1;
	s9 =	sadd.s32 $0x190, s7;
	s10 =	sadd.s32 $0x190, s8  }
.LBB2_1:
0x10: {  	s24 =	simm.s32 $0x100;
	s23 =	simm.s32 $0x0  }
.LBB2_2:
0x11: {  	p0 =	sne.s32 s24, $0x61F00;
	[tilespmem:s23+$0x30] =	vst v0;
	s25 =	smov.u32 s24;
	s24 =	sadd.s32 $0x100, s24  }
.Ltmp0:
0x12: {  	[tilespmem:s23+$0x20] =	vst v0;
	(pc) =	sbr.rel @p0 .LBB2_2-.Ltmp0, $3  }
0x13: {  	[tilespmem:s23+$0x0] =	vst v0  }
0x14: {  	[tilespmem:s23+$0x10] =	vst v0;
	_ =	sdelay $0x1  }
0x15: {  	s23 =	sshra.s32 s25, $0x2  }
0x16: {  	[tilespmem:s23+$0x30] =	vst v0  }
0x17: {  	[tilespmem:s23+$0x20] =	vst v0  }
0x18: {  	[tilespmem:s23+$0x0] =	vst v0  }
0x19: {  	[tilespmem:s23+$0x10] =	vst v0;
	s23 =	simm.s32 $0x0  }
0x1a: {  	[tilespmem:s13], [sflag:$0x1] =	stream.linear.gather [hbm4b:s7+s23], $0xC80, $0x38;
	[tilespmem:$0x1BA00] =	vst v63  }
0x1b: {  	_ = 	snop  }
0x1c: {  	[tilespmem:s14], [sflag:$0x3] =	stream.linear.gather [hbm4b:s8+s23], $0xC80, $0x38;
	[tilespmem:$0x1BA00] =	vst v63  }
0x1d: {  	_ = 	snop  }
0x1e: {  	[tilespmem:s15], [sflag:$0x2] =	stream.linear.gather [hbm4b:s9+s23], $0xC80, $0x38;
	[tilespmem:$0x1BA00] =	vst v63  }
0x1f: {  	_ = 	snop  }
0x20: {  	[tilespmem:s16], [sflag:$0x4] =	stream.linear.gather [hbm4b:s10+s23], $0xC80, $0x38;
	[tilespmem:$0x1BA00] =	vst v63  }
.LBB2_4:
0x21: {  	_ =	swait.ge [sflag:s17], $0xC80  }
0x22: {  	[sflag:s17] =	ssyncset.done $0x0  }
0x23: {  	[sflag:s17] =	ssyncadd.s32 $0xFFFFF380  }
0x24: {  	_ =	swait.ge [sflag:s18], $0xC80  }
0x25: {  	[sflag:s18] =	ssyncset.done $0x0  }
0x26: {  	s24 =	simm.s32 $0x0;
	[sflag:s18] =	ssyncadd.s32 $0xFFFFF380  }
.LBB2_5:
0x27: {  	s25 =	sshra.s32 s24, $0x2  }
0x28: {  	v1 =	vld [tilespmem:s25+$0x18800];
	_ =	sdelay $0x2  }
0x29: {  	v2 =	vld [tilespmem:s25+$0x1A100];
	_ =	sdelay $0x4  }
0x2a: {  	[tilespmem:v1+s3+$0x0] =	vst.idx.add.f32.msk $0xffff, v2  }
0x2b: {  	v1 =	vld [tilespmem:s25+$0x18810];
	_ =	sdelay $0x2  }
0x2c: {  	v2 =	vld [tilespmem:s25+$0x1A110];
	_ =	sdelay $0x4  }
0x2d: {  	[tilespmem:v1+s3+$0x0] =	vst.idx.add.f32.msk $0xffff, v2  }
0x2e: {  	v1 =	vld [tilespmem:s25+$0x18820];
	_ =	sdelay $0x2  }
0x2f: {  	v2 =	vld [tilespmem:s25+$0x1A120];
	_ =	sdelay $0x4  }
0x30: {  	[tilespmem:v1+s3+$0x0] =	vst.idx.add.f32.msk $0xffff, v2  }
0x31: {  	v1 =	vld [tilespmem:s25+$0x18830];
	_ =	sdelay $0x2  }
0x32: {  	p0 =	sne.s32 s24, $0x3100;
	v2 =	vld [tilespmem:s25+$0x1A130]  }
.Ltmp1:
0x33: {  	_ = 	snop;
	(pc) =	sbr.rel @p0 .LBB2_5-.Ltmp1, $2  }
0x34: {  	_ =	sdelay $0x2  }
0x35: {  	s24 =	sadd.s32 $0x100, s24;
	[tilespmem:v1+s3+$0x0] =	vst.idx.add.f32.msk $0xffff, v2  }
0x36: {  	s24 =	smul.u32 $0x1900, s23;
	_ =	sdelay $0x1  }
0x37: {  	s26 =	sadd.s32 $0x1900, s24  }
0x38: {  	s25 =	sadd.s32 s6, s26  }
0x39: {  	s26 =	sadd.s32 s4, s26;
	s25 =	sshrl.u32 s25, $0x3  }
0x3a: {  	s26 =	sshrl.u32 s26, $0x3;
	s28 =	sadd.s32 s5, s25;
	s25 =	simm.s32 $0x0  }
0x3b: {  	[tilespmem:s13], [sflag:$0x1] =	stream.linear.gather [hbm4b:s28+s25], $0xC80, $0x38;
	[tilespmem:$0x1BA00] =	vst v63  }
0x3c: {  	s26 =	sadd.s32 s2, s26  }
0x3d: {  	[tilespmem:s14], [sflag:$0x3] =	stream.linear.gather [hbm4b:s26+s25], $0xC80, $0x38;
	[tilespmem:$0x1BA00] =	vst v63  }
0x3e: {  	_ =	swait.ge [sflag:s19], $0xC80  }
0x3f: {  	[sflag:s19] =	ssyncset.done $0x0  }
0x40: {  	[sflag:s19] =	ssyncadd.s32 $0xFFFFF380  }
0x41: {  	_ =	swait.ge [sflag:s20], $0xC80  }
0x42: {  	[sflag:s20] =	ssyncset.done $0x0  }
0x43: {  	[sflag:s20] =	ssyncadd.s32 $0xFFFFF380  }
.LBB2_7:
0x44: {  	s26 =	sshra.s32 s25, $0x2  }
0x45: {  	v1 =	vld [tilespmem:s26+$0x19480];
	_ =	sdelay $0x2  }
0x46: {  	v2 =	vld [tilespmem:s26+$0x1AD80];
	_ =	sdelay $0x4  }
0x47: {  	[tilespmem:v1+s3+$0x0] =	vst.idx.add.f32.msk $0xffff, v2  }
0x48: {  	v1 =	vld [tilespmem:s26+$0x19490];
	_ =	sdelay $0x2  }
0x49: {  	v2 =	vld [tilespmem:s26+$0x1AD90];
	_ =	sdelay $0x4  }
0x4a: {  	[tilespmem:v1+s3+$0x0] =	vst.idx.add.f32.msk $0xffff, v2  }
0x4b: {  	v1 =	vld [tilespmem:s26+$0x194A0];
	_ =	sdelay $0x2  }
0x4c: {  	v2 =	vld [tilespmem:s26+$0x1ADA0];
	_ =	sdelay $0x4  }
0x4d: {  	[tilespmem:v1+s3+$0x0] =	vst.idx.add.f32.msk $0xffff, v2  }
0x4e: {  	v1 =	vld [tilespmem:s26+$0x194B0];
	_ =	sdelay $0x2  }
0x4f: {  	p0 =	sne.s32 s25, $0x3100;
	v2 =	vld [tilespmem:s26+$0x1ADB0]  }
.Ltmp2:
0x50: {  	_ = 	snop;
	(pc) =	sbr.rel @p0 .LBB2_7-.Ltmp2, $2  }
0x51: {  	_ =	sdelay $0x2  }
0x52: {  	s25 =	sadd.s32 $0x100, s25;
	[tilespmem:v1+s3+$0x0] =	vst.idx.add.f32.msk $0xffff, v2  }
0x53: {  	p0 =	seq.s32 s23, $0x3D  }
.Ltmp3:
0x54: {  	_ = 	snop;
	(pc) =	sbr.rel @p0 .LBB2_10-.Ltmp3, $1  }
0x55: {  	_ =	sdelay $0x3  }
0x56: {  	s24 =	sadd.s32 $0x2580, s24  }
0x57: {  	s25 =	sadd.s32 s6, s24  }
.Ltmp4:
0x58: {  	s24 =	sadd.s32 s4, s24;
	s25 =	sshrl.u32 s25, $0x3;
	(pc) =	sbr.rel .LBB2_4-.Ltmp4, $4  }
0x59: {  	s24 =	sshrl.u32 s24, $0x3;
	s25 =	sadd.s32 s5, s25  }
0x5a: {  	[tilespmem:s15], [sflag:$0x2] =	stream.linear.gather [hbm4b:s25+s3], $0xC80, $0x38;
	[tilespmem:$0x1BA00] =	vst v63  }
0x5b: {  	s23 =	sadd.s32 $0x1, s23;
	s24 =	sadd.s32 s2, s24  }
0x5c: {  	[tilespmem:s16], [sflag:$0x4] =	stream.linear.gather [hbm4b:s24+s3], $0xC80, $0x38;
	[tilespmem:$0x1BA00] =	vst v63  }
.LBB2_10:
0x5d: {  	_ =	swait.ge [sflag:s17], $0xC80  }
0x5e: {  	[sflag:s17] =	ssyncset.done $0x0  }
0x5f: {  	[sflag:s17] =	ssyncadd.s32 $0xFFFFF380  }
0x60: {  	_ =	swait.ge [sflag:s18], $0xC80  }
0x61: {  	[sflag:s18] =	ssyncset.done $0x0  }
0x62: {  	s23 =	simm.s32 $0x0;
	[sflag:s18] =	ssyncadd.s32 $0xFFFFF380  }
.LBB2_11:
0x63: {  	s24 =	sshra.s32 s23, $0x2  }
0x64: {  	v1 =	vld [tilespmem:s24+$0x18800];
	_ =	sdelay $0x2  }
0x65: {  	v2 =	vld [tilespmem:s24+$0x1A100];
	_ =	sdelay $0x4  }
0x66: {  	[tilespmem:v1+s3+$0x0] =	vst.idx.add.f32.msk $0xffff, v2  }
0x67: {  	v1 =	vld [tilespmem:s24+$0x18810];
	_ =	sdelay $0x2  }
0x68: {  	v2 =	vld [tilespmem:s24+$0x1A110];
	_ =	sdelay $0x4  }
0x69: {  	[tilespmem:v1+s3+$0x0] =	vst.idx.add.f32.msk $0xffff, v2  }
0x6a: {  	v1 =	vld [tilespmem:s24+$0x18820];
	_ =	sdelay $0x2  }
0x6b: {  	v2 =	vld [tilespmem:s24+$0x1A120];
	_ =	sdelay $0x4  }
0x6c: {  	[tilespmem:v1+s3+$0x0] =	vst.idx.add.f32.msk $0xffff, v2  }
0x6d: {  	v1 =	vld [tilespmem:s24+$0x18830];
	_ =	sdelay $0x2  }
0x6e: {  	p0 =	sne.s32 s23, $0x3100;
	v2 =	vld [tilespmem:s24+$0x1A130]  }
.Ltmp5:
0x6f: {  	_ = 	snop;
	(pc) =	sbr.rel @p0 .LBB2_11-.Ltmp5, $2  }
0x70: {  	_ =	sdelay $0x2  }
0x71: {  	s23 =	sadd.s32 $0x100, s23;
	[tilespmem:v1+s3+$0x0] =	vst.idx.add.f32.msk $0xffff, v2  }
0x72: {  	s22 =	sadd.s32 $0x1, s22  }
0x73: {  	p0 =	sne.s32 s22, s12  }
.Ltmp6:
0x74: {  	_ = 	snop;
	(pc) =	sbr.rel @p0 .LBB2_1-.Ltmp6, $4  }
0x75: {  	[hbm4b:s11+s3] =	stream.linear.scatter [tilespmem:s3], [sflag:$0x5], $0x18800, $0x38;
	[tilespmem:$0x1BA00] =	vst v63  }
0x76: {  	_ =	swait.ge [sflag:s21], $0x18800  }
0x77: {  	[sflag:s21] =	ssyncset.done $0x0  }
0x78: {  	[sflag:s21] =	ssyncadd.s32 $0xFFFE7800  }
0x79: {  	_ =	sfence.sel $0x180000  }
0x7a: {  	[bflag:$0x0] =	sbarrier.arrive $0xFFFF  }
0x7b: {  	p0 =	sne.s32 s1, $0x0;
	_ =	strace $0x9000004A  }
0x7c: {  	s0 =	sadd.s32 @!p0 $0x100000, s0;
	[bflag:$0x2] =	sbarrier.arrive $0xFFFF  }
0x7d: {  	[sflag:s0] =	ssyncadd.tile.s32 @!p0 $0x1;
	_ =	shalt  }
.Lfunc_end2:
_tile_overlayer_lowered:
.L_overlay_start_2:
0x7e: {  	(tag) =	ssettag $0x2  }
0x7f: {  	s0 =	rddreg [dreg:$0x0];
	s2 =	stileid.u32  }
0x80: {  	s1 =	rddreg [dreg:$0x1];
	p0 =	sne.s32 s2, $0x0  }
0x81: {  	s3 =	rddreg [dreg:$0x2];
	[bflag:$0x3] =	sbarrier.arrive $0xFFFF;
	s2 =	simm.s32 @!p0 $0x1C05  }
0x82: {  	[timem:s3], [sflag:s2] =	dma.local @!p0 [hbm:s0], s1  }
0x83: {  	s0 =	simm.s32 @!p0 $0x5  }
0x84: {  	_ =	swait.ge @!p0 [sflag:s0], s1  }
0x85: {  	s1 =	ssub.s32 @!p0 $0x0, s1;
	[sflag:s0] =	ssyncset.done @!p0 $0x0  }
0x86: {  	[sflag:s0] =	ssyncadd.s32 @!p0 s1  }
0x87: {  	[bflag:$0x3] =	sbarrier.arrive $0xFFFF  }
0x88: {  	_ =	shalt  }

// kernel: kernel.8.cloned.1.call-start
scs
__scs_entry_jumppad:
0x0: {  	(pc) =	sbr.rel $0x88, $3  }
0x1: {  	(tag) =	ssettag $0x0;
	lr =	simm.s32 $0x1  }
0x2: {  	[smem:$0x3F9F] =	sst lr;
	_ =	strace $0xD0000000  }
0x3: {  	_ = 	snop  }
0x4: {  	_ = 	snop  }
0x5: {  	_ = 	snop  }
0x6: {  	_ = 	snop  }
0x7: {  	_ = 	snop  }
__scs_overlays_trampoline_lowered:
0x8: {  	[smem:$0x3FAE] =	sst s0  }
0x9: {  	[smem:$0x3FAF] =	sst s1  }
0xa: {  	[smem:$0x3FB0] =	sst s2  }
0xb: {  	[smem:$0x3FB1] =	sst s3  }
0xc: {  	[smem:$0x3FB2] =	sst s4  }
0xd: {  	[smem:$0x3FB3] =	sst s5  }
0xe: {  	[smem:$0x3FB4] =	sst s6  }
0xf: {  	[smem:$0x3FB5] =	sst s7  }
0x10: {  	[smem:$0x3FB6] =	sst s8  }
0x11: {  	[smem:$0x3FB7] =	sst s9;
	s0 =	simm.s32 @!p0 $0x0  }
0x12: {  	s1 =	sld [smem:$0x3F9D];
	s0 =	simm.s32 @p0 $0x1  }
0x13: {  	[smem:$0x3FB8] =	sst s0;
	s0 =	simm.s32 @!p1 $0x0  }
0x14: {  	s2 =	sld [smem:$0x3F9C];
	s0 =	simm.s32 @p1 $0x1  }
0x15: {  	[smem:$0x3FB9] =	sst s0;
	s0 =	simm.s32 @!p2 $0x0  }
0x16: {  	s3 =	sld [smem:$0x3FDB];
	s0 =	simm.s32 @p2 $0x1  }
0x17: {  	s4 =	simm.s32 $0x1BF5;
	[smem:$0x3FBB] =	sst s0  }
0x18: {  	s0 =	sld [smem:$0x3F9E];
	_ =	swait.ge [sflag:s4], $0x0  }
0x19: {  	s7 =	sld [smem:$0x3F9F]  }
0x1a: {  	s8 =	sadd.s32 $0xFFFFE003, lr  }
0x1b: {  	s9 =	sadd.s32 $0xFFFFFEF7, lr;
	s5 =	simm.s32 $0xFFFFFFFF;
	p2 =	slt.u32 s8, $0xFFFFF086  }
0x1c: {  	p1 =	slt.u32 s9, $0xF7A;
	s5 =	simm.s32 @!p2 $0x0  }
0x1d: {  	s5 =	simm.s32 @p1 $0x1;
	p0 =	seq.s32 s7, s2  }
0x1e: {  	s7 =	smul.u32 @!p0 $0xF7A, s2;
	p2 =	seq.s32 @!p0 s5, $0x0  }
0x1f: {  	s9 =	smul.u32 $0xF7A, s1;
	s8 =	simm.s32 @!p0 $0x1BF5;
	p2 =	por !p2, p0  }
0x20: {  	[sflag:s8] =	ssyncset.s32 @!p0 $0xFFFFF086;
	s6 =	sadd.s32 @!p0 s3, s7;
	s7 =	simm.s32 @!p0 $0x108  }
0x21: {  	s3 =	sadd.s32 s3, s9;
	s6 =	sadd.s32 @!p0 $0x88, s6;
	s7 =	simm.s32 @p2 $0x1082  }
0x22: {  	[simem:s7], [sflag:s8] =	dma.local @!p0 [hbm:s6], $0xF7A  }
0x23: {  	s9 =	sor.u32 $0xD0000000, s2;
	s6 =	simm.s32 $0x108;
	_ =	swait.ge @!p0 [sflag:s8], $0x0  }
0x24: {  	s3 =	sadd.s32 $0x88, s3;
	s6 =	simm.s32 @!p1 $0x1082;
	[sflag:s4] =	ssyncset.s32 $0xFFFFF086  }
0x25: {  	[simem:s6], [sflag:s4] =	dma.local [hbm:s3], $0xF7A  }
0x26: {  	[smem:$0x3F9F] =	sst s1;
	(tag) =	ssettag s2;
	_ =	strace s9  }
0x27: {  	s1 =	sld [smem:$0x3FAF]  }
0x28: {  	s2 =	sld [smem:$0x3FB0]  }
0x29: {  	s4 =	sld [smem:$0x3FB2]  }
0x2a: {  	p0 =	seq.s32 s5, $0x0;
	s5 =	sld [smem:$0x3FB3]  }
0x2b: {  	s6 =	sld [smem:$0x3FB4]  }
0x2c: {  	s7 =	sld [smem:$0x3FB5]  }
0x2d: {  	s3 =	simm.s32 $0x108;
	s8 =	sld [smem:$0x3FB6]  }
0x2e: {  	s3 =	simm.s32 @!p0 $0x1082;
	s9 =	sld [smem:$0x3FB7]  }
0x2f: {  	lr =	sadd.s32 s0, s3;
	s0 =	sld [smem:$0x3FAE]  }
0x30: {  	s3 =	sld [smem:$0x3FB1]  }
0x31: {  	[smem:$0x3FBA] =	sst s10  }
0x32: {  	s10 =	sld [smem:$0x3FB8];
	_ =	sdelay $0x3  }
0x33: {  	p0 =	seq.s32 s10, $0x1;
	s10 =	sld [smem:$0x3FBA];
	_ =	sdelay $0x3  }
0x34: {  	[smem:$0x3FBA] =	sst s10  }
0x35: {  	s10 =	sld [smem:$0x3FB9];
	_ =	sdelay $0x3  }
0x36: {  	p1 =	seq.s32 s10, $0x1;
	s10 =	sld [smem:$0x3FBA];
	_ =	sdelay $0x3  }
0x37: {  	[smem:$0x3FBA] =	sst s10  }
0x38: {  	s10 =	sld [smem:$0x3FBB]  }
0x39: {  	_ = 	snop;
	(pc) =	sbr.ind lr, $3  }
0x3a: {  	_ = 	snop  }
0x3b: {  	_ = 	snop  }
0x3c: {  	p2 =	seq.s32 s10, $0x1;
	s10 =	sld [smem:$0x3FBA]  }
0x3d: {  	_ =	shalt  }
0x3e: {  	_ =	shalt  }
0x3f: {  	_ =	shalt  }
0x40: {  	_ =	shalt  }
0x41: {  	_ =	shalt  }
0x42: {  	_ =	shalt  }
0x43: {  	_ =	shalt  }
0x44: {  	_ =	shalt  }
0x45: {  	_ =	shalt  }
0x46: {  	_ =	shalt  }
0x47: {  	_ =	shalt  }
0x48: {  	_ =	shalt  }
0x49: {  	_ =	shalt  }
0x4a: {  	_ =	shalt  }
0x4b: {  	_ =	shalt  }
0x4c: {  	_ =	shalt  }
0x4d: {  	_ =	shalt  }
0x4e: {  	_ =	shalt  }
0x4f: {  	_ =	shalt  }
0x50: {  	_ =	shalt  }
0x51: {  	_ =	shalt  }
0x52: {  	_ =	shalt  }
0x53: {  	_ =	shalt  }
0x54: {  	_ =	shalt  }
0x55: {  	_ =	shalt  }
0x56: {  	_ =	shalt  }
0x57: {  	_ =	shalt  }
0x58: {  	_ =	shalt  }
0x59: {  	_ =	shalt  }
0x5a: {  	_ =	shalt  }
0x5b: {  	_ =	shalt  }
0x5c: {  	_ =	shalt  }
0x5d: {  	_ =	shalt  }
0x5e: {  	_ =	shalt  }
0x5f: {  	_ =	shalt  }
0x60: {  	_ =	shalt  }
0x61: {  	_ =	shalt  }
0x62: {  	_ =	shalt  }
0x63: {  	_ =	shalt  }
0x64: {  	_ =	shalt  }
0x65: {  	_ =	shalt  }
0x66: {  	_ =	shalt  }
0x67: {  	_ =	shalt  }
0x68: {  	_ =	shalt  }
0x69: {  	_ =	shalt  }
0x6a: {  	_ =	shalt  }
0x6b: {  	_ =	shalt  }
0x6c: {  	_ =	shalt  }
0x6d: {  	_ =	shalt  }
0x6e: {  	_ =	shalt  }
0x6f: {  	_ =	shalt  }
0x70: {  	_ =	shalt  }
0x71: {  	_ =	shalt  }
0x72: {  	_ =	shalt  }
0x73: {  	_ =	shalt  }
0x74: {  	_ =	shalt  }
0x75: {  	_ =	shalt  }
0x76: {  	_ =	shalt  }
0x77: {  	_ =	shalt  }
0x78: {  	_ =	shalt  }
0x79: {  	_ =	shalt  }
0x7a: {  	_ =	shalt  }
0x7b: {  	_ =	shalt  }
0x7c: {  	_ =	shalt  }
0x7d: {  	_ =	shalt  }
0x7e: {  	_ =	shalt  }
0x7f: {  	_ =	shalt  }
0x80: {  	_ =	shalt  }
0x81: {  	_ =	shalt  }
0x82: {  	_ =	shalt  }
0x83: {  	_ =	shalt  }
0x84: {  	_ =	shalt  }
0x85: {  	_ =	shalt  }
0x86: {  	_ =	shalt  }
0x87: {  	_ =	shalt  }
.Lfunc_end0:
.L_simem_size_0:
called_computation.2_lowered:
.L_overlay_start_0:
0x88: {  	s2 =	sld [smem:$0x3FD9]  }
0x89: {  	s3 =	sld [smem:$0x3FFE];
	_ =	sdelay $0x1  }
0x8a: {  	s1 =	srdreg.scid  }
0x8b: {  	s0 =	sand.u32 $0x1, s1  }
0x8c: {  	s17 =	sshll.u32 s0, $0xA;
	s2 =	sadd.s32 s3, s2  }
0x8d: {  	s2 =	sadd.s32 s2, s17  }
0x8e: {  	[smem:$0x3FC6] =	sst s2  }
0x8f: {  	_ = 	snop  }
0x90: {  	s2 =	sld [smem:$0x3FC9]  }
0x91: {  	s18 =	sld [smem:$0x3FD0];
	(tm) =	ssettm $0x1  }
0x92: {  	s4 =	sld [smem:$0x3FFB];
	_ =	sdelay $0x3  }
0x93: {  	_ =	strace s4  }
0x94: {  	s4 =	sld [smem:$0x3FFC];
	_ =	sdelay $0x3  }
0x95: {  	_ =	strace s4  }
0x96: {  	s4 =	sld [smem:$0x3FFD];
	_ =	sdelay $0x3  }
0x97: {  	_ =	strace s4  }
0x98: {  	_ =	strace $0x8FFFFFFF  }
0x99: {  	s19 =	sld [smem:$0x3FDB];
	_ =	sdelay $0x1  }
0x9a: {  	s5 =	simm.s32 $_scs_section_size  }
0x9b: {  	s6 =	simm.s32 $_size__tile_overlayer_lowered;
	s7 =	simm.s32 $_tile_overlayer_lowered  }
0x9c: {  	s22 =	simm.s32 $0x1BFF;
	s21 =	sshll.u32 s7, $0x1;
	s4 =	sadd.s32 s5, s19  }
0x9d: {  	s8 =	simm.s32 $0x0;
	s20 =	sshll.u32 s6, $0x1;
	s6 =	sadd.s32 s21, s4  }
0x9e: {  	[timem:s8], [sflag:s22] =	dma.local [hbm:s6], s20  }
0x9f: {  	_ =	swait.ge [sflag:s22], s20  }
0xa0: {  	s5 =	ssub.s32 $0x0, s20;
	[sflag:s22] =	ssyncset.done $0x0  }
0xa1: {  	[sflag:s22] =	ssyncadd.s32 s5;
	_ =	sdelay $0x1  }
0xa2: {  	s23 =	simm.s32 $0x1B8B  }
0xa3: {  	_ =	swait.ge [sflag:s23], $0x1  }
0xa4: {  	[sflag:s23] =	ssyncset.done $0x0  }
0xa5: {  	s25 =	simm.s32 $0x1B8E;
	s24 =	sld [smem:$0x3FFE];
	[sflag:s23] =	ssyncadd.s32 $0xFFFFFFFF  }
0xa6: {  	s26 =	simm.s32 $execute0_lowered;
	[smem:$0x3FD2] =	sst s25  }
0xa7: {  	s6 =	sshll.u32 s26, $0x1;
	_ =	strace $0x8000004C;
	[dreg:$0x1] =	wrdreg $0xFFFFFFFF  }
0xa8: {  	s28 =	simm.s32 $_size_execute0_lowered;
	s4 =	sadd.s32 s4, s6;
	[dreg:$0x0] =	wrdreg $0x0  }
0xa9: {  	s6 =	sshll.u32 s28, $0x1;
	[dreg:$0x2] =	wrdreg s4  }
0xaa: {  	[dreg:$0x3] =	wrdreg s6  }
0xab: {  	[dreg:$0x4] =	wrdreg $0xC0  }
0xac: {  	_ =	task [dreg:s8], $0x5FFFF  }
0xad: {  	[dreg:$0x1] =	wrdreg $0xFFFFFFFF  }
0xae: {  	[dreg:$0x0] =	wrdreg $0x60  }
0xaf: {  	[dreg:$0x2] =	wrdreg s24  }
0xb0: {  	[dreg:$0x3] =	wrdreg s2  }
0xb1: {  	[dreg:$0x4] =	wrdreg s18  }
0xb2: {  	[dreg:$0x5] =	wrdreg $0x9  }
0xb3: {  	_ =	task.clear_ibuf [dreg:s8], $0x6FFFF;
	_ =	strace $0x9000004C  }
0xb4: {  	s29 =	simm.s32 $0x9;
	_ =	strace $0x8000004E  }
0xb5: {  	_ =	swait.ge [sflag:s29], $0x1  }
0xb6: {  	[sflag:s29] =	ssyncadd.s32 $0xFFFFFFFF  }
0xb7: {  	_ =	strace $0x9000004E  }
0xb8: {  	_ =	sfence  }
0xb9: {  	s30 =	sld [smem:$0x0];
	_ =	sdelay $0x2  }
0xba: {  	s31 =	sshll.u32 s1, $0xD;
	s1 =	sshrl.u32 s1, $0x2  }
0xbb: {  	s3 =	sand.u32 $0x4000, s31;
	s1 =	sadd.s32 s1, s30  }
0xbc: {  	s0 =	sor.u32 s3, s0;
	s1 =	sshll.u32 s1, $0x11  }
0xbd: {  	s0 =	sor.u32 s1, s0  }
0xbe: {  	s0 =	sadd.s32 $0x8F2B, s0  }
0xbf: {  	[sflag:s0] =	ssyncadd.remote.s32 $0x1  }
0xc0: {  	_ =	sfence.sel $0xFFFF  }
0xc1: {  	[dreg:$0x0] =	wrdreg $0xFFFFFFFF;
	(pc) =	sbr.abs _section_cstart, $3  }
0xc2: {  	[dreg:$0x1] =	wrdreg $0xFFFFFFFF  }
0xc3: {  	_ =	task.clear_ibuf [dreg:s8], $0x2FFFF;
	_ =	strace $0x9FFFFFFF  }
0xc4: {  	(tm) =	ssettm $0x7FFFFFFF  }
0xc5: {  	_ =	shalt  }
tec
execute0_lowered:
.L_overlay_start_1:
0x0: {  	(tag) =	ssettag $0x1  }
0x1: {  	s0 =	rddreg [dreg:$0x0]  }
0x2: {  	s1 =	srdreg.scid;
	s2 =	rddreg [dreg:$0x1]  }
0x3: {  	s3 =	rddreg [dreg:$0x2];
	s6 =	stileid.u32  }
0x4: {  	s4 =	simm.s32 $0x0;
	s28 =	simm.s32 $0x3;
	s29 =	simm.s32 $0x5  }
0x5: {  	s30 =	simm.s32 $0x1AF00;
	s31 =	simm.s32 $0x2;
	s12 =	simm.s32 $0x0  }
0x6: {  	s1 =	sand.u32 $0x1, s1;
	[smem:$0x7FF] =	sst s4;
	s20 =	sadd.s32 $0x187A00, s0  }
0x7: {  	s7 =	sadd.s32 $0x1000, s0;
	s5 =	sshll.u32 s1, $0x4;
	_ =	strace $0x8000004D  }
0x8: {  	[dreg:$0x4] =	wrdreg s20;
	s21 =	ssub.s32 $0x2, s1;
	s5 =	sor.u32 s6, s5  }
0x9: {  	s20 =	simm.s32 $0x18800;
	s23 =	sshrl.u32 s21, $0x1;
	s5 =	smul.u32 $0x30D40, s5  }
0xa: {  	s0 =	ssub.s32 s21, s23;
	s21 =	simm.s32 $0x19500;
	s23 =	simm.s32 $0x18E80  }
0xb: {  	s0 =	smax.u32 s0, $0x1;
	s22 =	sshrl.u32 s5, $0x3;
	s9 =	sadd.s32 $0x640, s5  }
0xc: {  	s15 =	sadd.s32 $0xC80, s5;
	[dreg:$0xc] =	wrdreg s0;
	s10 =	sadd.s32 s2, s22  }
0xd: {  	s16 =	sadd.s32 $0x12C0, s5;
	s8 =	sadd.s32 s7, s22;
	[dreg:$0x7] =	wrdreg s10  }
0xe: {  	s25 =	sshrl.u32 s9, $0x3;
	s24 =	sadd.s32 $0xC3500, s8;
	[dreg:$0x5] =	wrdreg s8  }
0xf: {  	s0 =	simm.s32 $0x4;
	s26 =	sadd.s32 s7, s25;
	[dreg:$0x6] =	wrdreg s24  }
0x10: {  	s1 =	sadd.s32 s3, s22;
	s8 =	sadd.s32 $0xC35C8, s8;
	[dreg:$0x8] =	wrdreg s26  }
0x11: {  	s22 =	simm.s32 $0x1A200;
	s6 =	sadd.s32 s2, s25;
	[dreg:$0x9] =	wrdreg s8  }
0x12: {  	s1 =	sadd.s32 $0x60E0, s1;
	s25 =	simm.s32 $0x1A880;
	[dreg:$0xa] =	wrdreg s6  }
0x13: {  	s10 =	simm.s32 $0x7;
	[dreg:$0xb] =	wrdreg s1;
	s24 =	simm.s32 $0x19B80  }
0x14: {  	s26 =	simm.s32 $0x1;
	s1 =	simm.s32 $0x6;
	s6 =	simm.s32 $0x1B580  }
.LBB2_1:
0x15: {  	s8 =	rddreg [dreg:$0x4];
	s19 =	simm.s32 $0x9  }
0x16: {  	[tilespmem:s4], [sflag:$0x9] =	stream.linear.gather [hbm4b:s8+s4], $0x18800, $0x38;
	[tilespmem:$0x1BC00] =	vst v63  }
0x17: {  	_ =	swait.ge [sflag:s19], $0x18800  }
0x18: {  	[sflag:s19] =	ssyncset.done $0x0  }
0x19: {  	s11 =	rddreg [dreg:$0x5];
	[sflag:s19] =	ssyncadd.s32 $0xFFFE7800  }
0x1a: {  	[tilespmem:s20], [sflag:$0x1] =	stream.linear.gather [hbm4b:s11+s4], $0x640, $0x38;
	[tilespmem:$0x1BC00] =	vst v63  }
0x1b: {  	s13 =	rddreg [dreg:$0x6]  }
0x1c: {  	[tilespmem:s21], [sflag:$0x3] =	stream.linear.gather [hbm4b:s13+s4], $0x640, $0x38;
	[tilespmem:$0x1BC00] =	vst v63  }
0x1d: {  	s14 =	rddreg [dreg:$0x7]  }
0x1e: {  	[tilespmem:s22], [sflag:$0x5] =	stream.linear.gather [hbm4b:s14+s4], $0x640, $0x38;
	[tilespmem:$0x1BC00] =	vst v63  }
0x1f: {  	s17 =	rddreg [dreg:$0x8]  }
0x20: {  	[tilespmem:s23], [sflag:$0x2] =	stream.linear.gather [hbm4b:s17+s4], $0x640, $0x38;
	[tilespmem:$0x1BC00] =	vst v63  }
0x21: {  	s18 =	rddreg [dreg:$0x9]  }
0x22: {  	[tilespmem:s24], [sflag:$0x4] =	stream.linear.gather [hbm4b:s18+s4], $0x640, $0x38;
	[tilespmem:$0x1BC00] =	vst v63  }
0x23: {  	s19 =	rddreg [dreg:$0xa];
	s13 =	simm.s32 $0x0  }
0x24: {  	[tilespmem:s25], [sflag:$0x6] =	stream.linear.gather [hbm4b:s19+s4], $0x640, $0x38;
	[tilespmem:$0x1BC00] =	vst v63  }
.LBB2_2:
0x25: {  	_ =	swait.ge [sflag:s26], $0x640  }
0x26: {  	[sflag:s26] =	ssyncset.done $0x0  }
0x27: {  	[sflag:s26] =	ssyncadd.s32 $0xFFFFF9C0  }
0x28: {  	_ =	swait.ge [sflag:s28], $0x640  }
0x29: {  	[sflag:s28] =	ssyncset.done $0x0  }
0x2a: {  	[sflag:s28] =	ssyncadd.s32 $0xFFFFF9C0  }
0x2b: {  	_ =	swait.ge [sflag:s29], $0x640  }
0x2c: {  	p0 =	seq.s32 s13, $0x0;
	[sflag:s29] =	ssyncset.done $0x0  }
0x2d: {  	s8 =	simm.s32 @!p0 $0x7;
	[sflag:s29] =	ssyncadd.s32 $0xFFFFF9C0  }
0x2e: {  	_ =	swait.ge @!p0 [sflag:s8], $0x640  }
0x2f: {  	[sflag:s8] =	ssyncset.done @!p0 $0x0  }
0x30: {  	s17 =	simm.s32 $0x0;
	[sflag:s8] =	ssyncadd.s32 @!p0 $0xFFFFF9C0  }
0x31: {  	v0 =	vld [tilespmem:s17+$0x18800]  }
0x32: {  	v1 =	vld [tilespmem:s17+$0x19500];
	_ =	sdelay $0x6  }
0x33: {  	v0 =	vld.idx.msk [tilespmem:v0+s4+$0x0], $0xffff  }
0x34: {  	v1 =	vld.idx.msk [tilespmem:v1+s4+$0x0], $0xffff;
	_ =	sdelay $0x1  }
0x35: {  	v2 =	vld [tilespmem:s17+$0x1A200]  }
0x36: {  	v3 =	vld [tilespmem:s17+$0x18810]  }
0x37: {  	v4 =	vld [tilespmem:s17+$0x19510]  }
0x38: {  	v0 =	vand.u32 $0xFFFF0000, v0;
	v1 =	vshll.u32 v1, $0x10  }
0x39: {  	v0 =	vmul.f32 v1, v0;
	_ =	sdelay $0x1  }
0x3a: {  	v0 =	vmul.f32 v0, v2;
	_ =	sdelay $0x1  }
0x3b: {  	[tilespmem:s17+$0x1AF00] =	vst v0  }
0x3c: {  	v0 =	vld.idx.msk [tilespmem:v3+s4+$0x0], $0xffff  }
0x3d: {  	v1 =	vld.idx.msk [tilespmem:v4+s4+$0x0], $0xffff;
	_ =	sdelay $0x1  }
0x3e: {  	v2 =	vld [tilespmem:s17+$0x1A210]  }
0x3f: {  	v3 =	vld [tilespmem:s17+$0x18820]  }
0x40: {  	v4 =	vld [tilespmem:s17+$0x19520]  }
0x41: {  	v0 =	vand.u32 $0xFFFF0000, v0;
	v1 =	vshll.u32 v1, $0x10  }
0x42: {  	v0 =	vmul.f32 v1, v0;
	_ =	sdelay $0x1  }
0x43: {  	v0 =	vmul.f32 v0, v2;
	_ =	sdelay $0x1  }
0x44: {  	[tilespmem:s17+$0x1AF10] =	vst v0  }
0x45: {  	v0 =	vld.idx.msk [tilespmem:v3+s4+$0x0], $0xffff  }
0x46: {  	v1 =	vld.idx.msk [tilespmem:v4+s4+$0x0], $0xffff;
	_ =	sdelay $0x1  }
0x47: {  	v2 =	vld [tilespmem:s17+$0x1A220]  }
0x48: {  	v3 =	vld [tilespmem:s17+$0x18830]  }
0x49: {  	v4 =	vld [tilespmem:s17+$0x19530]  }
0x4a: {  	v0 =	vand.u32 $0xFFFF0000, v0;
	v1 =	vshll.u32 v1, $0x10  }
0x4b: {  	v0 =	vmul.f32 v1, v0;
	_ =	sdelay $0x1  }
0x4c: {  	v0 =	vmul.f32 v0, v2;
	_ =	sdelay $0x1  }
0x4d: {  	[tilespmem:s17+$0x1AF20] =	vst v0  }
0x4e: {  	v3 =	vld.idx.msk [tilespmem:v3+s4+$0x0], $0xffff  }
0x4f: {  	v4 =	vld.idx.msk [tilespmem:v4+s4+$0x0], $0xffff;
	_ =	sdelay $0x1  }
0x50: {  	s11 =	simm.s32 $0x40;
	v0 =	vld [tilespmem:s17+$0x1A230]  }
0x51: {  	s14 =	smul.u32 $0xC80, s13;
	v1 =	vld [tilespmem:s11+$0x18800]  }
0x52: {  	v2 =	vld [tilespmem:s11+$0x19500]  }
0x53: {  	s18 =	sadd.s32 s5, s14;
	s8 =	simm.s32 $0x200;
	v3 =	vand.u32 $0xFFFF0000, v3;
	v4 =	vshll.u32 v4, $0x10  }
.LBB2_3:
0x54: {  	p1 =	sne.s32 s8, $0x1800;
	v3 =	vmul.f32 v4, v3;
	s19 =	smov.u32 s8;
	s8 =	sadd.s32 $0x100, s8  }
0x55: {  	_ = 	snop  }
0x56: {  	v0 =	vmul.f32 v3, v0;
	_ =	sdelay $0x1  }
0x57: {  	[tilespmem:s17+$0x1AF30] =	vst v0;
	s17 =	smov.u32 s11  }
0x58: {  	v0 =	vld.idx.msk [tilespmem:v1+s4+$0x0], $0xffff  }
0x59: {  	v1 =	vld.idx.msk [tilespmem:v2+s4+$0x0], $0xffff;
	_ =	sdelay $0x1  }
0x5a: {  	v2 =	vld [tilespmem:s17+$0x19510]  }
0x5b: {  	v3 =	vld [tilespmem:s17+$0x1A200]  }
0x5c: {  	v4 =	vld [tilespmem:s17+$0x18810]  }
0x5d: {  	v0 =	vand.u32 $0xFFFF0000, v0  }
0x5e: {  	v1 =	vshll.u32 v1, $0x10  }
0x5f: {  	v0 =	vmul.f32 v1, v0;
	_ =	sdelay $0x1  }
0x60: {  	v0 =	vmul.f32 v0, v3;
	_ =	sdelay $0x1  }
0x61: {  	[tilespmem:s17+$0x1AF00] =	vst v0  }
0x62: {  	v0 =	vld.idx.msk [tilespmem:v4+s4+$0x0], $0xffff  }
0x63: {  	v1 =	vld.idx.msk [tilespmem:v2+s4+$0x0], $0xffff;
	_ =	sdelay $0x1  }
0x64: {  	v2 =	vld [tilespmem:s17+$0x1A210]  }
0x65: {  	v3 =	vld [tilespmem:s17+$0x19520]  }
0x66: {  	v4 =	vld [tilespmem:s17+$0x18820]  }
0x67: {  	v0 =	vand.u32 $0xFFFF0000, v0  }
0x68: {  	v1 =	vshll.u32 v1, $0x10  }
0x69: {  	v0 =	vmul.f32 v1, v0;
	_ =	sdelay $0x1  }
0x6a: {  	v0 =	vmul.f32 v0, v2;
	_ =	sdelay $0x1  }
0x6b: {  	[tilespmem:s17+$0x1AF10] =	vst v0  }
0x6c: {  	v0 =	vld.idx.msk [tilespmem:v4+s4+$0x0], $0xffff  }
0x6d: {  	v1 =	vld.idx.msk [tilespmem:v3+s4+$0x0], $0xffff  }
0x6e: {  	v2 =	vld [tilespmem:s17+$0x1A220];
	_ =	sdelay $0x1  }
0x6f: {  	v3 =	vld [tilespmem:s17+$0x19530]  }
0x70: {  	v4 =	vld [tilespmem:s17+$0x18830]  }
0x71: {  	v0 =	vand.u32 $0xFFFF0000, v0  }
0x72: {  	v1 =	vshll.u32 v1, $0x10  }
0x73: {  	v0 =	vmul.f32 v1, v0;
	_ =	sdelay $0x1  }
0x74: {  	v0 =	vmul.f32 v0, v2;
	_ =	sdelay $0x1  }
0x75: {  	[tilespmem:s17+$0x1AF20] =	vst v0;
	v0 =	vld [tilespmem:s17+$0x1A230]  }
0x76: {  	v4 =	vld.idx.msk [tilespmem:v4+s4+$0x0], $0xffff  }
0x77: {  	v5 =	vld.idx.msk [tilespmem:v3+s4+$0x0], $0xffff;
	_ =	sdelay $0x1  }
.Ltmp0:
0x78: {  	(pc) =	sbr.rel @p1 .LBB2_3-.Ltmp0, $4  }
0x79: {  	s11 =	sshra.s32 s19, $0x2  }
0x7a: {  	v1 =	vld [tilespmem:s11+$0x18800]  }
0x7b: {  	v3 =	vand.u32 $0xFFFF0000, v4;
	v2 =	vld [tilespmem:s11+$0x19500]  }
0x7c: {  	v4 =	vshll.u32 v5, $0x10  }
0x7d: {  	_ = 	snop  }
0x7e: {  	v3 =	vmul.f32 v4, v3;
	_ =	sdelay $0x1  }
0x7f: {  	v0 =	vmul.f32 v3, v0;
	_ =	sdelay $0x1  }
0x80: {  	[tilespmem:s17+$0x1AF30] =	vst v0  }
0x81: {  	v0 =	vld.idx.msk [tilespmem:v1+s4+$0x0], $0xffff  }
0x82: {  	v1 =	vld.idx.msk [tilespmem:v2+s4+$0x0], $0xffff;
	_ =	sdelay $0x1  }
0x83: {  	v2 =	vld [tilespmem:s11+$0x1A200]  }
0x84: {  	v3 =	vld [tilespmem:s11+$0x18810]  }
0x85: {  	v4 =	vld [tilespmem:s11+$0x19510]  }
0x86: {  	v0 =	vand.u32 $0xFFFF0000, v0;
	v1 =	vshll.u32 v1, $0x10  }
0x87: {  	v0 =	vmul.f32 v1, v0;
	_ =	sdelay $0x1  }
0x88: {  	v0 =	vmul.f32 v0, v2;
	_ =	sdelay $0x1  }
0x89: {  	[tilespmem:s11+$0x1AF00] =	vst v0  }
0x8a: {  	v0 =	vld.idx.msk [tilespmem:v3+s4+$0x0], $0xffff  }
0x8b: {  	v1 =	vld.idx.msk [tilespmem:v4+s4+$0x0], $0xffff;
	_ =	sdelay $0x1  }
0x8c: {  	v2 =	vld [tilespmem:s11+$0x1A210]  }
0x8d: {  	v3 =	vld [tilespmem:s11+$0x18820]  }
0x8e: {  	v4 =	vld [tilespmem:s11+$0x19520]  }
0x8f: {  	v0 =	vand.u32 $0xFFFF0000, v0;
	v1 =	vshll.u32 v1, $0x10  }
0x90: {  	v0 =	vmul.f32 v1, v0;
	_ =	sdelay $0x1  }
0x91: {  	v0 =	vmul.f32 v0, v2;
	_ =	sdelay $0x1  }
0x92: {  	[tilespmem:s11+$0x1AF10] =	vst v0  }
0x93: {  	v0 =	vld.idx.msk [tilespmem:v3+s4+$0x0], $0xffff  }
0x94: {  	v1 =	vld.idx.msk [tilespmem:v4+s4+$0x0], $0xffff;
	_ =	sdelay $0x1  }
0x95: {  	v2 =	vld [tilespmem:s11+$0x1A220]  }
0x96: {  	v3 =	vld [tilespmem:s11+$0x18830]  }
0x97: {  	v4 =	vld [tilespmem:s11+$0x19530]  }
0x98: {  	v0 =	vand.u32 $0xFFFF0000, v0;
	v1 =	vshll.u32 v1, $0x10  }
0x99: {  	v0 =	vmul.f32 v1, v0;
	_ =	sdelay $0x1  }
0x9a: {  	v0 =	vmul.f32 v0, v2;
	_ =	sdelay $0x1  }
0x9b: {  	[tilespmem:s11+$0x1AF20] =	vst v0  }
0x9c: {  	v0 =	vld.idx.msk [tilespmem:v3+s4+$0x0], $0xffff  }
0x9d: {  	v1 =	vld.idx.msk [tilespmem:v4+s4+$0x0], $0xffff;
	_ =	sdelay $0x2  }
0x9e: {  	v2 =	vld [tilespmem:s11+$0x1A230];
	_ =	sdelay $0x1  }
0x9f: {  	v0 =	vand.u32 $0xFFFF0000, v0;
	v1 =	vshll.u32 v1, $0x10  }
0xa0: {  	v0 =	vmul.f32 v1, v0;
	_ =	sdelay $0x1  }
0xa1: {  	v0 =	vmul.f32 v0, v2  }
0xa2: {  	s8 =	sshrl.u32 s18, $0x3  }
0xa3: {  	s18 =	sadd.s32 s14, s15;
	s8 =	sadd.s32 s3, s8;
	[tilespmem:s11+$0x1AF30] =	vst v0  }
0xa4: {  	[hbm4b:s8+s4] =	stream.linear.scatter [tilespmem:s30], [sflag:$0x7], $0x640, $0x38;
	[tilespmem:$0x1BC00] =	vst v63  }
0xa5: {  	s8 =	sshrl.u32 s18, $0x3  }
0xa6: {  	s19 =	sadd.s32 s7, s8  }
0xa7: {  	[tilespmem:s20], [sflag:$0x1] =	stream.linear.gather [hbm4b:s19+s4], $0x640, $0x38;
	[tilespmem:$0x1BC00] =	vst v63  }
0xa8: {  	s11 =	sadd.s32 $0xC3500, s19  }
0xa9: {  	[tilespmem:s21], [sflag:$0x3] =	stream.linear.gather [hbm4b:s11+s4], $0x640, $0x38;
	[tilespmem:$0x1BC00] =	vst v63  }
0xaa: {  	s8 =	sadd.s32 s2, s8  }
0xab: {  	[tilespmem:s22], [sflag:$0x5] =	stream.linear.gather [hbm4b:s8+s4], $0x640, $0x38;
	[tilespmem:$0x1BC00] =	vst v63  }
0xac: {  	_ =	swait.ge [sflag:s31], $0x640  }
0xad: {  	[sflag:s31] =	ssyncset.done $0x0  }
0xae: {  	[sflag:s31] =	ssyncadd.s32 $0xFFFFF9C0  }
0xaf: {  	_ =	swait.ge [sflag:s0], $0x640  }
0xb0: {  	[sflag:s0] =	ssyncset.done $0x0  }
0xb1: {  	[sflag:s0] =	ssyncadd.s32 $0xFFFFF9C0  }
0xb2: {  	_ =	swait.ge [sflag:s1], $0x640  }
0xb3: {  	[sflag:s1] =	ssyncset.done $0x0  }
0xb4: {  	s8 =	simm.s32 @!p0 $0x8;
	[sflag:s1] =	ssyncadd.s32 $0xFFFFF9C0  }
0xb5: {  	_ =	swait.ge @!p0 [sflag:s8], $0x640  }
0xb6: {  	[sflag:s8] =	ssyncset.done @!p0 $0x0  }
0xb7: {  	s18 =	simm.s32 $0x0;
	[sflag:s8] =	ssyncadd.s32 @!p0 $0xFFFFF9C0  }
0xb8: {  	v0 =	vld [tilespmem:s18+$0x18E80]  }
0xb9: {  	v1 =	vld [tilespmem:s18+$0x19B80];
	_ =	sdelay $0x6  }
0xba: {  	v0 =	vld.idx.msk [tilespmem:v0+s4+$0x0], $0xffff  }
0xbb: {  	v1 =	vld.idx.msk [tilespmem:v1+s4+$0x0], $0xffff;
	_ =	sdelay $0x1  }
0xbc: {  	v2 =	vld [tilespmem:s18+$0x1A880]  }
0xbd: {  	v3 =	vld [tilespmem:s18+$0x18E90]  }
0xbe: {  	v4 =	vld [tilespmem:s18+$0x19B90]  }
0xbf: {  	v0 =	vand.u32 $0xFFFF0000, v0;
	v1 =	vshll.u32 v1, $0x10  }
0xc0: {  	v0 =	vmul.f32 v1, v0;
	_ =	sdelay $0x1  }
0xc1: {  	v0 =	vmul.f32 v0, v2;
	_ =	sdelay $0x1  }
0xc2: {  	[tilespmem:s18+$0x1B580] =	vst v0  }
0xc3: {  	v0 =	vld.idx.msk [tilespmem:v3+s4+$0x0], $0xffff  }
0xc4: {  	v1 =	vld.idx.msk [tilespmem:v4+s4+$0x0], $0xffff;
	_ =	sdelay $0x1  }
0xc5: {  	v2 =	vld [tilespmem:s18+$0x1A890]  }
0xc6: {  	v3 =	vld [tilespmem:s18+$0x18EA0]  }
0xc7: {  	v4 =	vld [tilespmem:s18+$0x19BA0]  }
0xc8: {  	v0 =	vand.u32 $0xFFFF0000, v0;
	v1 =	vshll.u32 v1, $0x10  }
0xc9: {  	v0 =	vmul.f32 v1, v0;
	_ =	sdelay $0x1  }
0xca: {  	v0 =	vmul.f32 v0, v2;
	_ =	sdelay $0x1  }
0xcb: {  	[tilespmem:s18+$0x1B590] =	vst v0  }
0xcc: {  	v0 =	vld.idx.msk [tilespmem:v3+s4+$0x0], $0xffff  }
0xcd: {  	v1 =	vld.idx.msk [tilespmem:v4+s4+$0x0], $0xffff;
	_ =	sdelay $0x1  }
0xce: {  	v2 =	vld [tilespmem:s18+$0x1A8A0]  }
0xcf: {  	v3 =	vld [tilespmem:s18+$0x18EB0]  }
0xd0: {  	v4 =	vld [tilespmem:s18+$0x19BB0]  }
0xd1: {  	v0 =	vand.u32 $0xFFFF0000, v0;
	v1 =	vshll.u32 v1, $0x10  }
0xd2: {  	v0 =	vmul.f32 v1, v0;
	_ =	sdelay $0x1  }
0xd3: {  	v0 =	vmul.f32 v0, v2;
	_ =	sdelay $0x1  }
0xd4: {  	[tilespmem:s18+$0x1B5A0] =	vst v0  }
0xd5: {  	v3 =	vld.idx.msk [tilespmem:v3+s4+$0x0], $0xffff  }
0xd6: {  	v4 =	vld.idx.msk [tilespmem:v4+s4+$0x0], $0xffff;
	_ =	sdelay $0x1  }
0xd7: {  	s11 =	simm.s32 $0x40;
	v0 =	vld [tilespmem:s18+$0x1A8B0]  }
0xd8: {  	v1 =	vld [tilespmem:s11+$0x18E80]  }
0xd9: {  	v2 =	vld [tilespmem:s11+$0x19B80]  }
0xda: {  	s17 =	sadd.s32 s14, s9;
	s8 =	simm.s32 $0x200;
	v3 =	vand.u32 $0xFFFF0000, v3;
	v4 =	vshll.u32 v4, $0x10  }
.LBB2_5:
0xdb: {  	p0 =	sne.s32 s8, $0x1800;
	v3 =	vmul.f32 v4, v3;
	s19 =	smov.u32 s8;
	s8 =	sadd.s32 $0x100, s8  }
0xdc: {  	_ = 	snop  }
0xdd: {  	v0 =	vmul.f32 v3, v0;
	_ =	sdelay $0x1  }
0xde: {  	[tilespmem:s18+$0x1B5B0] =	vst v0;
	s18 =	smov.u32 s11  }
0xdf: {  	v0 =	vld.idx.msk [tilespmem:v1+s4+$0x0], $0xffff  }
0xe0: {  	v1 =	vld.idx.msk [tilespmem:v2+s4+$0x0], $0xffff;
	_ =	sdelay $0x1  }
0xe1: {  	v2 =	vld [tilespmem:s18+$0x19B90]  }
0xe2: {  	v3 =	vld [tilespmem:s18+$0x1A880]  }
0xe3: {  	v4 =	vld [tilespmem:s18+$0x18E90]  }
0xe4: {  	v0 =	vand.u32 $0xFFFF0000, v0  }
0xe5: {  	v1 =	vshll.u32 v1, $0x10  }
0xe6: {  	v0 =	vmul.f32 v1, v0;
	_ =	sdelay $0x1  }
0xe7: {  	v0 =	vmul.f32 v0, v3;
	_ =	sdelay $0x1  }
0xe8: {  	[tilespmem:s18+$0x1B580] =	vst v0  }
0xe9: {  	v0 =	vld.idx.msk [tilespmem:v4+s4+$0x0], $0xffff  }
0xea: {  	v1 =	vld.idx.msk [tilespmem:v2+s4+$0x0], $0xffff;
	_ =	sdelay $0x1  }
0xeb: {  	v2 =	vld [tilespmem:s18+$0x1A890]  }
0xec: {  	v3 =	vld [tilespmem:s18+$0x19BA0]  }
0xed: {  	v4 =	vld [tilespmem:s18+$0x18EA0]  }
0xee: {  	v0 =	vand.u32 $0xFFFF0000, v0  }
0xef: {  	v1 =	vshll.u32 v1, $0x10  }
0xf0: {  	v0 =	vmul.f32 v1, v0;
	_ =	sdelay $0x1  }
0xf1: {  	v0 =	vmul.f32 v0, v2;
	_ =	sdelay $0x1  }
0xf2: {  	[tilespmem:s18+$0x1B590] =	vst v0  }
0xf3: {  	v0 =	vld.idx.msk [tilespmem:v4+s4+$0x0], $0xffff  }
0xf4: {  	v1 =	vld.idx.msk [tilespmem:v3+s4+$0x0], $0xffff  }
0xf5: {  	v2 =	vld [tilespmem:s18+$0x1A8A0];
	_ =	sdelay $0x1  }
0xf6: {  	v3 =	vld [tilespmem:s18+$0x19BB0]  }
0xf7: {  	v4 =	vld [tilespmem:s18+$0x18EB0]  }
0xf8: {  	v0 =	vand.u32 $0xFFFF0000, v0  }
0xf9: {  	v1 =	vshll.u32 v1, $0x10  }
0xfa: {  	v0 =	vmul.f32 v1, v0;
	_ =	sdelay $0x1  }
0xfb: {  	v0 =	vmul.f32 v0, v2;
	_ =	sdelay $0x1  }
0xfc: {  	[tilespmem:s18+$0x1B5A0] =	vst v0;
	v0 =	vld [tilespmem:s18+$0x1A8B0]  }
0xfd: {  	v4 =	vld.idx.msk [tilespmem:v4+s4+$0x0], $0xffff  }
0xfe: {  	v5 =	vld.idx.msk [tilespmem:v3+s4+$0x0], $0xffff;
	_ =	sdelay $0x1  }
.Ltmp1:
0xff: {  	(pc) =	sbr.rel @p0 .LBB2_5-.Ltmp1, $4  }
0x100: {  	s11 =	sshra.s32 s19, $0x2  }
0x101: {  	v1 =	vld [tilespmem:s11+$0x18E80]  }
0x102: {  	v3 =	vand.u32 $0xFFFF0000, v4;
	v2 =	vld [tilespmem:s11+$0x19B80]  }
0x103: {  	v4 =	vshll.u32 v5, $0x10  }
0x104: {  	_ = 	snop  }
0x105: {  	v3 =	vmul.f32 v4, v3;
	_ =	sdelay $0x1  }
0x106: {  	v0 =	vmul.f32 v3, v0;
	_ =	sdelay $0x1  }
0x107: {  	[tilespmem:s18+$0x1B5B0] =	vst v0  }
0x108: {  	v0 =	vld.idx.msk [tilespmem:v1+s4+$0x0], $0xffff  }
0x109: {  	v50 =	vld.idx.msk [tilespmem:v2+s4+$0x0], $0xffff;
	_ =	sdelay $0x1  }
0x10a: {  	v51 =	vld [tilespmem:s11+$0x1A880]  }
0x10b: {  	v52 =	vld [tilespmem:s11+$0x18E90]  }
0x10c: {  	v53 =	vld [tilespmem:s11+$0x19B90]  }
0x10d: {  	v0 =	vand.u32 $0xFFFF0000, v0;
	v1 =	vshll.u32 v50, $0x10  }
0x10e: {  	v0 =	vmul.f32 v1, v0;
	_ =	sdelay $0x1  }
0x10f: {  	v0 =	vmul.f32 v0, v51;
	_ =	sdelay $0x1  }
0x110: {  	[tilespmem:s11+$0x1B580] =	vst v0  }
0x111: {  	v0 =	vld.idx.msk [tilespmem:v52+s4+$0x0], $0xffff  }
0x112: {  	v54 =	vld.idx.msk [tilespmem:v53+s4+$0x0], $0xffff;
	_ =	sdelay $0x1  }
0x113: {  	v55 =	vld [tilespmem:s11+$0x1A890]  }
0x114: {  	v56 =	vld [tilespmem:s11+$0x18EA0]  }
0x115: {  	v57 =	vld [tilespmem:s11+$0x19BA0]  }
0x116: {  	v0 =	vand.u32 $0xFFFF0000, v0;
	v1 =	vshll.u32 v54, $0x10  }
0x117: {  	v0 =	vmul.f32 v1, v0;
	_ =	sdelay $0x1  }
0x118: {  	v0 =	vmul.f32 v0, v55;
	_ =	sdelay $0x1  }
0x119: {  	[tilespmem:s11+$0x1B590] =	vst v0  }
0x11a: {  	v0 =	vld.idx.msk [tilespmem:v56+s4+$0x0], $0xffff  }
0x11b: {  	v58 =	vld.idx.msk [tilespmem:v57+s4+$0x0], $0xffff;
	_ =	sdelay $0x1  }
0x11c: {  	v59 =	vld [tilespmem:s11+$0x1A8A0]  }
0x11d: {  	v60 =	vld [tilespmem:s11+$0x18EB0]  }
0x11e: {  	v61 =	vld [tilespmem:s11+$0x19BB0]  }
0x11f: {  	v0 =	vand.u32 $0xFFFF0000, v0;
	v1 =	vshll.u32 v58, $0x10  }
0x120: {  	v0 =	vmul.f32 v1, v0;
	_ =	sdelay $0x1  }
0x121: {  	v0 =	vmul.f32 v0, v59;
	_ =	sdelay $0x1  }
0x122: {  	[tilespmem:s11+$0x1B5A0] =	vst v0  }
0x123: {  	v0 =	vld.idx.msk [tilespmem:v60+s4+$0x0], $0xffff  }
0x124: {  	v62 =	vld.idx.msk [tilespmem:v61+s4+$0x0], $0xffff;
	_ =	sdelay $0x2  }
0x125: {  	v63 =	vld [tilespmem:s11+$0x1A8B0];
	_ =	sdelay $0x1  }
0x126: {  	v0 =	vand.u32 $0xFFFF0000, v0;
	v1 =	vshll.u32 v62, $0x10  }
0x127: {  	p0 =	seq.s32 s13, $0x3D;
	v0 =	vmul.f32 v1, v0  }
.Ltmp2:
0x128: {  	_ = 	snop;
	(pc) =	sbr.rel @p0 .LBB2_8-.Ltmp2, $4  }
0x129: {  	v0 =	vmul.f32 v0, v63  }
0x12a: {  	s8 =	sshrl.u32 s17, $0x3  }
0x12b: {  	s8 =	sadd.s32 s3, s8;
	[tilespmem:s11+$0x1B5B0] =	vst v0  }
0x12c: {  	[hbm4b:s8+s4] =	stream.linear.scatter [tilespmem:s6], [sflag:$0x8], $0x640, $0x38;
	[tilespmem:$0x1BC00] =	vst v63  }
0x12d: {  	s8 =	sadd.s32 s14, s16  }
0x12e: {  	s8 =	sshrl.u32 s8, $0x3  }
0x12f: {  	s11 =	sadd.s32 s7, s8  }
0x130: {  	[tilespmem:s23], [sflag:$0x2] =	stream.linear.gather [hbm4b:s11+s4], $0x640, $0x38;
	[tilespmem:$0x1BC00] =	vst v63  }
.Ltmp3:
0x131: {  	_ = 	snop;
	(pc) =	sbr.rel .LBB2_2-.Ltmp3, $4  }
0x132: {  	s11 =	sadd.s32 $0xC3500, s11  }
0x133: {  	[tilespmem:s24], [sflag:$0x4] =	stream.linear.gather [hbm4b:s11+s4], $0x640, $0x38;
	[tilespmem:$0x1BC00] =	vst v63  }
0x134: {  	s13 =	sadd.s32 $0x1, s13;
	s8 =	sadd.s32 s2, s8  }
0x135: {  	[tilespmem:s25], [sflag:$0x6] =	stream.linear.gather [hbm4b:s8+s4], $0x640, $0x38;
	[tilespmem:$0x1BC00] =	vst v63  }
.LBB2_8:
0x136: {  	_ =	swait.ge [sflag:s26], $0x640  }
0x137: {  	[sflag:s26] =	ssyncset.done $0x0  }
0x138: {  	[sflag:s26] =	ssyncadd.s32 $0xFFFFF9C0  }
0x139: {  	_ =	swait.ge [sflag:s28], $0x640  }
0x13a: {  	[sflag:s28] =	ssyncset.done $0x0  }
0x13b: {  	[sflag:s28] =	ssyncadd.s32 $0xFFFFF9C0  }
0x13c: {  	_ =	swait.ge [sflag:s29], $0x640  }
0x13d: {  	[sflag:s29] =	ssyncset.done $0x0  }
0x13e: {  	[sflag:s29] =	ssyncadd.s32 $0xFFFFF9C0  }
0x13f: {  	_ =	swait.ge [sflag:s10], $0x640  }
0x140: {  	[sflag:s10] =	ssyncset.done $0x0  }
0x141: {  	s13 =	simm.s32 $0x0;
	[sflag:s10] =	ssyncadd.s32 $0xFFFFF9C0  }
0x142: {  	v0 =	vld [tilespmem:s13+$0x18800]  }
0x143: {  	v1 =	vld [tilespmem:s13+$0x19500];
	_ =	sdelay $0x6  }
0x144: {  	v0 =	vld.idx.msk [tilespmem:v0+s4+$0x0], $0xffff  }
0x145: {  	v1 =	vld.idx.msk [tilespmem:v1+s4+$0x0], $0xffff;
	_ =	sdelay $0x1  }
0x146: {  	v2 =	vld [tilespmem:s13+$0x1A200]  }
0x147: {  	v3 =	vld [tilespmem:s13+$0x18810]  }
0x148: {  	v4 =	vld [tilespmem:s13+$0x19510]  }
0x149: {  	v0 =	vand.u32 $0xFFFF0000, v0;
	v1 =	vshll.u32 v1, $0x10  }
0x14a: {  	v0 =	vmul.f32 v1, v0;
	_ =	sdelay $0x1  }
0x14b: {  	v0 =	vmul.f32 v0, v2;
	_ =	sdelay $0x1  }
0x14c: {  	[tilespmem:s13+$0x1AF00] =	vst v0  }
0x14d: {  	v0 =	vld.idx.msk [tilespmem:v3+s4+$0x0], $0xffff  }
0x14e: {  	v1 =	vld.idx.msk [tilespmem:v4+s4+$0x0], $0xffff;
	_ =	sdelay $0x1  }
0x14f: {  	v2 =	vld [tilespmem:s13+$0x1A210]  }
0x150: {  	v3 =	vld [tilespmem:s13+$0x18820]  }
0x151: {  	v4 =	vld [tilespmem:s13+$0x19520]  }
0x152: {  	v0 =	vand.u32 $0xFFFF0000, v0;
	v1 =	vshll.u32 v1, $0x10  }
0x153: {  	v0 =	vmul.f32 v1, v0;
	_ =	sdelay $0x1  }
0x154: {  	v0 =	vmul.f32 v0, v2;
	_ =	sdelay $0x1  }
0x155: {  	[tilespmem:s13+$0x1AF10] =	vst v0  }
0x156: {  	v0 =	vld.idx.msk [tilespmem:v3+s4+$0x0], $0xffff  }
0x157: {  	v1 =	vld.idx.msk [tilespmem:v4+s4+$0x0], $0xffff;
	_ =	sdelay $0x1  }
0x158: {  	v2 =	vld [tilespmem:s13+$0x1A220]  }
0x159: {  	v3 =	vld [tilespmem:s13+$0x18830]  }
0x15a: {  	v4 =	vld [tilespmem:s13+$0x19530]  }
0x15b: {  	v0 =	vand.u32 $0xFFFF0000, v0;
	v1 =	vshll.u32 v1, $0x10  }
0x15c: {  	v0 =	vmul.f32 v1, v0;
	_ =	sdelay $0x1  }
0x15d: {  	v0 =	vmul.f32 v0, v2;
	_ =	sdelay $0x1  }
0x15e: {  	[tilespmem:s13+$0x1AF20] =	vst v0  }
0x15f: {  	v3 =	vld.idx.msk [tilespmem:v3+s4+$0x0], $0xffff  }
0x160: {  	v4 =	vld.idx.msk [tilespmem:v4+s4+$0x0], $0xffff;
	_ =	sdelay $0x1  }
0x161: {  	s11 =	simm.s32 $0x40;
	v0 =	vld [tilespmem:s13+$0x1A230]  }
0x162: {  	v1 =	vld [tilespmem:s11+$0x18800]  }
0x163: {  	v2 =	vld [tilespmem:s11+$0x19500]  }
0x164: {  	s8 =	simm.s32 $0x200;
	v3 =	vand.u32 $0xFFFF0000, v3;
	v4 =	vshll.u32 v4, $0x10  }
.LBB2_9:
0x165: {  	p0 =	sne.s32 s8, $0x1800;
	v3 =	vmul.f32 v4, v3;
	s14 =	smov.u32 s8;
	s8 =	sadd.s32 $0x100, s8  }
0x166: {  	_ = 	snop  }
0x167: {  	v0 =	vmul.f32 v3, v0;
	_ =	sdelay $0x1  }
0x168: {  	[tilespmem:s13+$0x1AF30] =	vst v0;
	s13 =	smov.u32 s11  }
0x169: {  	v0 =	vld.idx.msk [tilespmem:v1+s4+$0x0], $0xffff  }
0x16a: {  	v1 =	vld.idx.msk [tilespmem:v2+s4+$0x0], $0xffff;
	_ =	sdelay $0x1  }
0x16b: {  	v2 =	vld [tilespmem:s13+$0x19510]  }
0x16c: {  	v3 =	vld [tilespmem:s13+$0x1A200]  }
0x16d: {  	v4 =	vld [tilespmem:s13+$0x18810]  }
0x16e: {  	v0 =	vand.u32 $0xFFFF0000, v0  }
0x16f: {  	v1 =	vshll.u32 v1, $0x10  }
0x170: {  	v0 =	vmul.f32 v1, v0;
	_ =	sdelay $0x1  }
0x171: {  	v0 =	vmul.f32 v0, v3;
	_ =	sdelay $0x1  }
0x172: {  	[tilespmem:s13+$0x1AF00] =	vst v0  }
0x173: {  	v0 =	vld.idx.msk [tilespmem:v4+s4+$0x0], $0xffff  }
0x174: {  	v1 =	vld.idx.msk [tilespmem:v2+s4+$0x0], $0xffff;
	_ =	sdelay $0x1  }
0x175: {  	v2 =	vld [tilespmem:s13+$0x1A210]  }
0x176: {  	v3 =	vld [tilespmem:s13+$0x19520]  }
0x177: {  	v4 =	vld [tilespmem:s13+$0x18820]  }
0x178: {  	v0 =	vand.u32 $0xFFFF0000, v0  }
0x179: {  	v1 =	vshll.u32 v1, $0x10  }
0x17a: {  	v0 =	vmul.f32 v1, v0;
	_ =	sdelay $0x1  }
0x17b: {  	v0 =	vmul.f32 v0, v2;
	_ =	sdelay $0x1  }
0x17c: {  	[tilespmem:s13+$0x1AF10] =	vst v0  }
0x17d: {  	v0 =	vld.idx.msk [tilespmem:v4+s4+$0x0], $0xffff  }
0x17e: {  	v1 =	vld.idx.msk [tilespmem:v3+s4+$0x0], $0xffff  }
0x17f: {  	v2 =	vld [tilespmem:s13+$0x1A220];
	_ =	sdelay $0x1  }
0x180: {  	v3 =	vld [tilespmem:s13+$0x19530]  }
0x181: {  	v4 =	vld [tilespmem:s13+$0x18830]  }
0x182: {  	v0 =	vand.u32 $0xFFFF0000, v0  }
0x183: {  	v1 =	vshll.u32 v1, $0x10  }
0x184: {  	v0 =	vmul.f32 v1, v0;
	_ =	sdelay $0x1  }
0x185: {  	v0 =	vmul.f32 v0, v2;
	_ =	sdelay $0x1  }
0x186: {  	[tilespmem:s13+$0x1AF20] =	vst v0;
	v0 =	vld [tilespmem:s13+$0x1A230]  }
0x187: {  	v4 =	vld.idx.msk [tilespmem:v4+s4+$0x0], $0xffff  }
0x188: {  	v5 =	vld.idx.msk [tilespmem:v3+s4+$0x0], $0xffff;
	_ =	sdelay $0x1  }
.Ltmp4:
0x189: {  	(pc) =	sbr.rel @p0 .LBB2_9-.Ltmp4, $4  }
0x18a: {  	s11 =	sshra.s32 s14, $0x2  }
0x18b: {  	v1 =	vld [tilespmem:s11+$0x18800]  }
0x18c: {  	v3 =	vand.u32 $0xFFFF0000, v4;
	v2 =	vld [tilespmem:s11+$0x19500]  }
0x18d: {  	v4 =	vshll.u32 v5, $0x10  }
0x18e: {  	_ = 	snop  }
0x18f: {  	v3 =	vmul.f32 v4, v3;
	_ =	sdelay $0x1  }
0x190: {  	v0 =	vmul.f32 v3, v0;
	_ =	sdelay $0x1  }
0x191: {  	[tilespmem:s13+$0x1AF30] =	vst v0  }
0x192: {  	v0 =	vld.idx.msk [tilespmem:v1+s4+$0x0], $0xffff  }
0x193: {  	v50 =	vld.idx.msk [tilespmem:v2+s4+$0x0], $0xffff;
	_ =	sdelay $0x1  }
0x194: {  	v51 =	vld [tilespmem:s11+$0x1A200]  }
0x195: {  	v52 =	vld [tilespmem:s11+$0x18810]  }
0x196: {  	v53 =	vld [tilespmem:s11+$0x19510]  }
0x197: {  	v0 =	vand.u32 $0xFFFF0000, v0;
	v1 =	vshll.u32 v50, $0x10  }
0x198: {  	v0 =	vmul.f32 v1, v0;
	_ =	sdelay $0x1  }
0x199: {  	v0 =	vmul.f32 v0, v51;
	_ =	sdelay $0x1  }
0x19a: {  	[tilespmem:s11+$0x1AF00] =	vst v0  }
0x19b: {  	v0 =	vld.idx.msk [tilespmem:v52+s4+$0x0], $0xffff  }
0x19c: {  	v54 =	vld.idx.msk [tilespmem:v53+s4+$0x0], $0xffff;
	_ =	sdelay $0x1  }
0x19d: {  	v55 =	vld [tilespmem:s11+$0x1A210]  }
0x19e: {  	v56 =	vld [tilespmem:s11+$0x18820]  }
0x19f: {  	v57 =	vld [tilespmem:s11+$0x19520]  }
0x1a0: {  	v0 =	vand.u32 $0xFFFF0000, v0;
	v1 =	vshll.u32 v54, $0x10  }
0x1a1: {  	v0 =	vmul.f32 v1, v0;
	_ =	sdelay $0x1  }
0x1a2: {  	v0 =	vmul.f32 v0, v55;
	_ =	sdelay $0x1  }
0x1a3: {  	[tilespmem:s11+$0x1AF10] =	vst v0  }
0x1a4: {  	v0 =	vld.idx.msk [tilespmem:v56+s4+$0x0], $0xffff  }
0x1a5: {  	v58 =	vld.idx.msk [tilespmem:v57+s4+$0x0], $0xffff;
	_ =	sdelay $0x1  }
0x1a6: {  	v59 =	vld [tilespmem:s11+$0x1A220]  }
0x1a7: {  	v60 =	vld [tilespmem:s11+$0x18830]  }
0x1a8: {  	v61 =	vld [tilespmem:s11+$0x19530]  }
0x1a9: {  	v0 =	vand.u32 $0xFFFF0000, v0;
	v1 =	vshll.u32 v58, $0x10  }
0x1aa: {  	v0 =	vmul.f32 v1, v0;
	_ =	sdelay $0x1  }
0x1ab: {  	v0 =	vmul.f32 v0, v59;
	_ =	sdelay $0x1  }
0x1ac: {  	[tilespmem:s11+$0x1AF20] =	vst v0  }
0x1ad: {  	v0 =	vld.idx.msk [tilespmem:v60+s4+$0x0], $0xffff  }
0x1ae: {  	v62 =	vld.idx.msk [tilespmem:v61+s4+$0x0], $0xffff;
	_ =	sdelay $0x2  }
0x1af: {  	v63 =	vld [tilespmem:s11+$0x1A230];
	_ =	sdelay $0x1  }
0x1b0: {  	v0 =	vand.u32 $0xFFFF0000, v0;
	v1 =	vshll.u32 v62, $0x10  }
0x1b1: {  	v0 =	vmul.f32 v1, v0;
	_ =	sdelay $0x1  }
0x1b2: {  	v0 =	vmul.f32 v0, v63;
	_ =	sdelay $0x1  }
0x1b3: {  	s8 =	rddreg [dreg:$0xb];
	[tilespmem:s11+$0x1AF30] =	vst v0  }
0x1b4: {  	[hbm4b:s8+s4] =	stream.linear.scatter [tilespmem:s30], [sflag:$0x7], $0x640, $0x38;
	[tilespmem:$0x1BC00] =	vst v63  }
0x1b5: {  	_ =	swait.ge [sflag:s10], $0x640  }
0x1b6: {  	[sflag:s10] =	ssyncset.done $0x0  }
0x1b7: {  	s18 =	simm.s32 $0x8;
	[sflag:s10] =	ssyncadd.s32 $0xFFFFF9C0  }
0x1b8: {  	_ =	swait.ge [sflag:s18], $0x640  }
0x1b9: {  	s12 =	sadd.s32 $0x1, s12;
	s19 =	rddreg [dreg:$0xc]  }
0x1ba: {  	p0 =	sne.s32 s12, s19  }
.Ltmp5:
0x1bb: {  	_ = 	snop;
	(pc) =	sbr.rel @p0 .LBB2_1-.Ltmp5, $3  }
0x1bc: {  	_ =	sdelay $0x1  }
0x1bd: {  	[sflag:s18] =	ssyncset.done $0x0  }
0x1be: {  	[sflag:s18] =	ssyncadd.s32 $0xFFFFF9C0  }
0x1bf: {  	_ =	sfence.sel $0x180000  }
0x1c0: {  	[bflag:$0x0] =	sbarrier.arrive $0xFFFF  }
0x1c1: {  	_ =	strace $0x9000004D  }
0x1c2: {  	s0 =	stileid.u32;
	[bflag:$0x2] =	sbarrier.arrive $0xFFFF  }
0x1c3: {  	p0 =	sne.s32 s0, $0x0;
	s0 =	rddreg [dreg:$0x3]  }
0x1c4: {  	s0 =	sadd.s32 @!p0 $0x100000, s0  }
0x1c5: {  	[sflag:s0] =	ssyncadd.tile.s32 @!p0 $0x1;
	_ =	shalt  }
.Lfunc_end2:
_tile_overlayer_lowered:
.L_overlay_start_2:
0x1c6: {  	(tag) =	ssettag $0x2  }
0x1c7: {  	s0 =	rddreg [dreg:$0x0];
	s2 =	stileid.u32  }
0x1c8: {  	s1 =	rddreg [dreg:$0x1];
	p0 =	sne.s32 s2, $0x0  }
0x1c9: {  	s3 =	rddreg [dreg:$0x2];
	[bflag:$0x3] =	sbarrier.arrive $0xFFFF;
	s2 =	simm.s32 @!p0 $0x1C09  }
0x1ca: {  	[timem:s3], [sflag:s2] =	dma.local @!p0 [hbm:s0], s1  }
0x1cb: {  	s0 =	simm.s32 @!p0 $0x9  }
0x1cc: {  	_ =	swait.ge @!p0 [sflag:s0], s1  }
0x1cd: {  	s1 =	ssub.s32 @!p0 $0x0, s1;
	[sflag:s0] =	ssyncset.done @!p0 $0x0  }
0x1ce: {  	[sflag:s0] =	ssyncadd.s32 @!p0 s1  }
0x1cf: {  	[bflag:$0x3] =	sbarrier.arrive $0xFFFF  }
0x1d0: {  	_ =	shalt  }

// kernel: sparse-core-data-format-call.cloned.1.call-start
scs
called_computation_lowered:
.L_overlay_start_0:
0x0: {  	s2 =	sld [smem:$0x3FD9]  }
0x1: {  	s3 =	sld [smem:$0x3FFE];
	_ =	sdelay $0x1  }
0x2: {  	s1 =	srdreg.scid  }
0x3: {  	s0 =	sand.u32 $0x1, s1  }
0x4: {  	s18 =	sshll.u32 s0, $0xA;
	s2 =	sadd.s32 s3, s2  }
0x5: {  	s2 =	sadd.s32 s2, s18  }
0x6: {  	[smem:$0x3FC6] =	sst s2  }
0x7: {  	_ = 	snop  }
0x8: {  	s2 =	sld [smem:$0x3FC8];
	(tm) =	ssettm $0x1  }
0x9: {  	s19 =	sld [smem:$0x3FFB];
	_ =	sdelay $0x3  }
0xa: {  	_ =	strace s19  }
0xb: {  	s3 =	sld [smem:$0x3FFC];
	_ =	sdelay $0x3  }
0xc: {  	_ =	strace s3  }
0xd: {  	s3 =	sld [smem:$0x3FFD];
	_ =	sdelay $0x3  }
0xe: {  	_ =	strace s3  }
0xf: {  	_ =	strace $0x8FFFFFFF  }
0x10: {  	s20 =	sld [smem:$0x3FDB];
	_ =	sdelay $0x1  }
0x11: {  	s4 =	simm.s32 $_scs_section_size  }
0x12: {  	s5 =	simm.s32 $_size__tile_overlayer_lowered;
	s6 =	simm.s32 $_tile_overlayer_lowered  }
0x13: {  	s23 =	simm.s32 $0x1BFF;
	s22 =	sshll.u32 s6, $0x1;
	s3 =	sadd.s32 s4, s20  }
0x14: {  	s7 =	simm.s32 $0x0;
	s21 =	sshll.u32 s5, $0x1;
	s5 =	sadd.s32 s22, s3  }
0x15: {  	[timem:s7], [sflag:s23] =	dma.local [hbm:s5], s21  }
0x16: {  	_ =	swait.ge [sflag:s23], s21  }
0x17: {  	s4 =	ssub.s32 $0x0, s21;
	[sflag:s23] =	ssyncset.done $0x0  }
0x18: {  	[sflag:s23] =	ssyncadd.s32 s4;
	_ =	sdelay $0x1  }
0x19: {  	s24 =	simm.s32 $0x1B8B  }
0x1a: {  	_ =	swait.ge [sflag:s24], $0x1  }
0x1b: {  	[sflag:s24] =	ssyncset.done $0x0  }
0x1c: {  	s26 =	simm.s32 $0x1B8E;
	s25 =	sld [smem:$0x3FFE];
	[sflag:s24] =	ssyncadd.s32 $0xFFFFFFFF  }
0x1d: {  	s27 =	simm.s32 $execute0_lowered;
	[smem:$0x3FD2] =	sst s26  }
0x1e: {  	s5 =	sshll.u32 s27, $0x1;
	_ =	strace $0x80000046;
	[dreg:$0x1] =	wrdreg $0xFFFFFFFF  }
0x1f: {  	s28 =	simm.s32 $_size_execute0_lowered;
	s3 =	sadd.s32 s3, s5;
	[dreg:$0x0] =	wrdreg $0x0  }
0x20: {  	s5 =	sshll.u32 s28, $0x1;
	[dreg:$0x2] =	wrdreg s3  }
0x21: {  	[dreg:$0x3] =	wrdreg s5  }
0x22: {  	[dreg:$0x4] =	wrdreg $0xC0  }
0x23: {  	_ =	task [dreg:s7], $0x5FFFF  }
0x24: {  	[dreg:$0x1] =	wrdreg $0xFFFFFFFF  }
0x25: {  	[dreg:$0x0] =	wrdreg $0x60  }
0x26: {  	[dreg:$0x2] =	wrdreg s2  }
0x27: {  	[dreg:$0x3] =	wrdreg s25  }
0x28: {  	[dreg:$0x4] =	wrdreg $0x9  }
0x29: {  	_ =	task.clear_ibuf [dreg:s7], $0x5FFFF;
	_ =	strace $0x90000046  }
0x2a: {  	s29 =	simm.s32 $0x9;
	_ =	strace $0x80000048  }
0x2b: {  	_ =	swait.ge [sflag:s29], $0x1  }
0x2c: {  	[sflag:s29] =	ssyncadd.s32 $0xFFFFFFFF  }
0x2d: {  	_ =	strace $0x90000048  }
0x2e: {  	_ =	sfence  }
0x2f: {  	s30 =	sld [smem:$0x0];
	_ =	sdelay $0x2  }
0x30: {  	s31 =	sshll.u32 s1, $0xD;
	s1 =	sshrl.u32 s1, $0x2  }
0x31: {  	s3 =	sand.u32 $0x4000, s31;
	s1 =	sadd.s32 s1, s30  }
0x32: {  	s0 =	sor.u32 s3, s0;
	s1 =	sshll.u32 s1, $0x11  }
0x33: {  	s0 =	sor.u32 s1, s0  }
0x34: {  	s0 =	sadd.s32 $0x8F2B, s0  }
0x35: {  	[sflag:s0] =	ssyncadd.remote.s32 $0x1  }
0x36: {  	_ =	sfence.sel $0xFFFF  }
0x37: {  	[dreg:$0x0] =	wrdreg $0xFFFFFFFF;
	(pc) =	sbr.abs _section_cstart, $3  }
0x38: {  	[dreg:$0x1] =	wrdreg $0xFFFFFFFF  }
0x39: {  	_ =	task.clear_ibuf [dreg:s7], $0x2FFFF;
	_ =	strace $0x9FFFFFFF  }
0x3a: {  	(tm) =	ssettm $0x7FFFFFFF  }
0x3b: {  	_ =	shalt  }
tec
execute0_lowered:
.L_overlay_start_1:
0x0: {  	(tag) =	ssettag $0x1  }
0x1: {  	s0 =	stileid.u32;
	s7 =	rddreg [dreg:$0x0]  }
0x2: {  	s1 =	srdreg.scid;
	s4 =	rddreg [dreg:$0x1]  }
0x3: {  	s30 =	simm.s32 $0x2;
	s10 =	simm.s32 $0x0;
	s14 =	simm.s32 $0x0  }
0x4: {  	s15 =	simm.s32 $0x0;
	s11 =	simm.s32 $0x0;
	s13 =	simm.s32 $0x0  }
0x5: {  	s2 =	sand.u32 $0x1, s1;
	s3 =	sshll.u32 s0, $0x7;
	s1 =	rddreg [dreg:$0x2]  }
0x6: {  	_ =	strace $0x80000047;
	s5 =	ssub.s32 $0xC300, s3;
	s6 =	ssub.s32 $0x2, s2  }
.Ltmp0:
0x7: {  	s5 =	sshrl.u32 s5, $0xB;
	s8 =	sshrl.u32 s6, $0x1;
	(pc) =	sbr.rel .LBB1_1-.Ltmp0, $4  }
0x8: {  	s4 =	sadd.s32 $0x1000, s4;
	s9 =	sadd.s32 $0x1, s5;
	s6 =	ssub.s32 s6, s8  }
0x9: {  	s31 =	sshll.u32 s2, $0x4;
	s5 =	simm.s32 $0x1;
	s6 =	smul.u32 s9, s6  }
0xa: {  	s12 =	smov.u32 s3;
	s7 =	sadd.s32 s7, s31;
	[sflag:s5] =	ssyncpa.u1 $0x0  }
0xb: {  	s9 =	simm.s32 $0x0;
	[sflag:s30] =	ssyncpa.u1 $0x0;
	s8 =	sadd.s32 $0x1, s6  }
.LBB1_4:
0xc: {  	s21 =	simm.s32 $0x0  }
.LBB1_8:
0xd: {  	_ =	sdelay $0x3  }
0xe: {  	v6 =	vld [tilespmem:s18+$0xFFFFFFC0];
	[tilespmem:v0+s20+$0x30 ss:$0x1] =	vst.idx.msk @p0 $0xffff, v2  }
0xf: {  	v58 =	vld [tilespmem:s18+$0xFFFFFFD0];
	[tilespmem:v0+s20+$0x40 ss:$0x1] =	vst.idx.msk @p0 $0xffff, v3;
	s21 =	sadd.s32 @p0 $0x80, s21  }
0x10: {  	v59 =	vld [tilespmem:s18+$0xFFFFFFE0];
	[tilespmem:v0+s20+$0x50 ss:$0x1] =	vst.idx.msk @p0 $0xffff, v5;
	s19 =	smov.u32 @p0 s21  }
0x11: {  	v60 =	vld [tilespmem:s18+$0xFFFFFFF0];
	[tilespmem:v0+s20+$0x60 ss:$0x1] =	vst.idx.msk @p0 $0xffff, v4;
	s19 =	sand.u32 $0x3F80, s19  }
0x12: {  	v61 =	vld [tilespmem:s18+$0x0];
	[tilespmem:v0+s19+$0x70 ss:$0x1] =	vst.idx.msk $0xffff, v1  }
0x13: {  	v62 =	vld [tilespmem:s18+$0x10];
	[tilespmem:v0+s19+$0x0 ss:$0x1] =	vst.idx.msk $0xffff, v6  }
0x14: {  	v63 =	vld [tilespmem:s18+$0x20];
	[tilespmem:v0+s19+$0x10 ss:$0x1] =	vst.idx.msk $0xffff, v58  }
0x15: {  	[tilespmem:v0+s19+$0x20 ss:$0x1] =	vst.idx.msk $0xffff, v59  }
0x16: {  	[tilespmem:v0+s19+$0x30 ss:$0x1] =	vst.idx.msk $0xffff, v60  }
0x17: {  	[tilespmem:v0+s19+$0x40 ss:$0x1] =	vst.idx.msk $0xffff, v61  }
0x18: {  	[tilespmem:v0+s19+$0x50 ss:$0x1] =	vst.idx.msk $0xffff, v62  }
0x19: {  	[tilespmem:v0+s19+$0x60 ss:$0x1] =	vst.idx.msk $0xffff, v63  }
.LBB1_9:
0x1a: {  	s18 =	sand.u32 $0x1FFFFFF, s11  }
0x1b: {  	s19 =	smulhi.u32 $0x14F8B59, s18;
	_ =	sdelay $0x1  }
0x1c: {  	s19 =	sshrl.u32 s19, $0x8  }
0x1d: {  	s19 =	smul.u32 $0xC350, s19  }
0x1e: {  	s15 =	smul.u32 $0xC3500, s15  }
0x1f: {  	s18 =	ssub.s32 s18, s19  }
0x20: {  	s15 =	sadd.s32 s4, s15;
	s18 =	sshll.u32 s18, $0x4  }
0x21: {  	s15 =	sadd.s32 s18, s15  }
0x22: {  	[hbm4b:s15+s9] =	stream.linear.scatter [tilespmem:s17], [sflag:$0x2], s16, $0x38;
	[tilespmem:$0x10000] =	vst v63  }
.LBB1_10:
0x23: {  	p0 =	slt.u32 s13, $0x2  }
0x24: {  	p1 =	sgt.s32 @!p0 s14, $0xC2D0  }
0x25: {  	s15 =	smov.u32 s14;
	s16 =	sshra.s32 @!p0 s14, $0x1F;
	p1 =	por !p1, p0  }
0x26: {  	s14 =	sand.u32 @!p0 s16, s14;
	s15 =	simm.s32 @p1 $0xC2D0  }
0x27: {  	s14 =	ssub.s32 @!p0 s15, s14  }
0x28: {  	s14 =	sadd.s32 @!p0 $0xFFFF3D30, s14  }
0x29: {  	s15 =	sshll.u32 @!p0 s14, $0x7  }
0x2a: {  	p1 =	sgt.s32 @!p0 s14, $0x7F;
	s14 =	ssub.s32 @!p0 $0x4000, s15  }
0x2b: {  	s16 =	sadd.s32 $0x800, s12;
	p1 =	por !p1, p0;
	s14 =	sand.u32 @!p0 $0x3FFFFF80, s14  }
0x2c: {  	s14 =	simm.s32 @!p1 $0x0;
	p1 =	sgt.s32 s16, $0xC34F  }
0x2d: {  	s16 =	smov.u32 @p1 s3;
	p1 =	sne.s32 s13, s8  }
.Ltmp1:
0x2e: {  	_ = 	snop;
	(pc) =	sbr.rel @!p1 .LBB1_11-.Ltmp1, $4  }
0x2f: {  	s10 =	sadd.s32 $0x4000, s10;
	s15 =	simm.s32 @!p0 $0x2  }
0x30: {  	_ =	swait.ge @!p0 [sflag:s15], s14;
	s17 =	ssub.s32 @!p0 $0x0, s14;
	s14 =	smov.u32 s11  }
0x31: {  	s13 =	sadd.s32 $0x1, s13;
	s11 =	smov.u32 s12;
	[sflag:s15] =	ssyncset.done @!p0 $0x0  }
0x32: {  	s12 =	smov.u32 s16;
	[sflag:s15] =	ssyncadd.s32 @!p0 s17;
	s15 =	smov.u32 s2  }
.LBB1_1:
0x33: {  	p0 =	sge.u32 s13, s6  }
0x34: {  	p1 =	sgt.s32 @!p0 s12, $0xC2D0  }
0x35: {  	s16 =	smov.u32 s12;
	s17 =	sshra.s32 @!p0 s12, $0x1F;
	p1 =	por !p1, p0  }
0x36: {  	s17 =	sand.u32 @!p0 s17, s12;
	s16 =	simm.s32 @p1 $0xC2D0  }
0x37: {  	s16 =	ssub.s32 @!p0 s16, s17  }
0x38: {  	s31 =	sadd.s32 $0xFFFFFFFF, s13;
	s18 =	sxor.u32 @!p0 $0xFFFFFFFF, s13;
	s16 =	sadd.s32 @!p0 $0xFFFF3D30, s16  }
0x39: {  	s19 =	simm.s32 @!p0 $0x80;
	s20 =	simm.s32 @!p0 $0x100;
	s17 =	sshll.u32 @!p0 s16, $0x7  }
0x3a: {  	p1 =	sgt.s32 @!p0 s16, $0x7F;
	s16 =	ssub.s32 @!p0 $0x4000, s17;
	s17 =	sshll.u32 @!p0 s18, $0xE  }
0x3b: {  	p1 =	por !p1, p0;
	s18 =	sshll.u32 @!p0 s12, $0x5;
	s16 =	sand.u32 @!p0 $0x3FFFFF80, s16  }
0x3c: {  	s17 =	sand.u32 @!p0 $0x4000, s17;
	s18 =	sadd.s32 @!p0 s18, s7;
	s16 =	simm.s32 @!p1 $0x0  }
0x3d: {  	[tilespmem:s17], [sflag:$0x1] =	stream.strided.gather @!p0 [hbm4b:s18+s19], s16, s20, s19, $0x38;
	[tilespmem:$0x10000] =	vst v63  }
0x3e: {  	p0 =	sge.u32 s31, s6  }
.Ltmp2:
0x3f: {  	_ = 	snop;
	(pc) =	sbr.rel @p0 .LBB1_10-.Ltmp2, $1  }
0x40: {  	_ =	sdelay $0x3  }
0x41: {  	p0 =	sgt.s32 s11, $0xC2D0;
	s16 =	smov.u32 s11;
	s17 =	sshra.s32 s11, $0x1F  }
0x42: {  	s16 =	simm.s32 @!p0 $0xC2D0;
	s17 =	sand.u32 s17, s11  }
0x43: {  	s16 =	ssub.s32 s16, s17  }
0x44: {  	s16 =	sadd.s32 $0xFFFF3D30, s16  }
0x45: {  	s30 =	sshll.u32 s16, $0x7  }
0x46: {  	s17 =	ssub.s32 $0x4000, s30  }
0x47: {  	p0 =	sgt.s32 s16, $0x7F;
	s16 =	sand.u32 $0x3FFFFF80, s17;
	s17 =	sadd.s32 $0x80, s11  }
0x48: {  	s16 =	simm.s32 @p0 $0x0;
	p0 =	slt.s32 s17, $0xC350  }
0x49: {  	s17 =	simm.s32 @!p0 $0xC350  }
0x4a: {  	s20 =	ssub.s32 s17, s11  }
0x4b: {  	p0 =	slt.s32 s20, $0x1  }
.Ltmp3:
0x4c: {  	_ = 	snop;
	(pc) =	sbr.rel @p0 .LBB1_9-.Ltmp3, $4  }
0x4d: {  	_ = 	snop  }
0x4e: {  	s19 =	sshll.u32 s13, $0xE;
	_ =	swait.ge [sflag:s5], s16  }
0x4f: {  	s31 =	sand.u32 $0x4000, s19;
	s18 =	ssub.s32 $0x0, s16;
	[sflag:s5] =	ssyncset.done $0x0  }
0x50: {  	s17 =	sor.u32 $0x8000, s31;
	[sflag:s5] =	ssyncadd.s32 s18  }
0x51: {  	p1 =	sne.s32 s20, $0x1  }
.Ltmp4:
0x52: {  	v0 =	vmov s17;
	(pc) =	sbr.rel @!p1 .LBB1_4-.Ltmp4, $4  }
0x53: {  	_ = 	snop  }
0x54: {  	s18 =	sand.u32 $0x4000, s10  }
0x55: {  	s18 =	sor.u32 $0x40, s18  }
0x56: {  	s19 =	simm.s32 $0x0;
	s21 =	sadd.s32 $0xFFFFFFFF, s20;
	p0 =	por $0x0, $0x0;
	v1 =	vld [tilespmem:s18+$0x30]  }
0x57: {  	v4 =	vld [tilespmem:s18+$0xFFFFFFC0]  }
0x58: {  	v6 =	vld [tilespmem:s18+$0xFFFFFFD0]  }
0x59: {  	v7 =	vld [tilespmem:s18+$0xFFFFFFE0];
	p1 =	sne.s32 s21, $0x1  }
.Ltmp5:
0x5a: {  	v2 =	vld [tilespmem:s18+$0xFFFFFFF0];
	s20 =	sand.u32 $0x3F80, s19;
	(pc) =	sbr.rel @!p1 .LBB1_6-.Ltmp5, $4  }
0x5b: {  	v3 =	vld [tilespmem:s18+$0x0];
	[tilespmem:v0+s20+$0x70 ss:$0x1] =	vst.idx.msk $0xffff, v1  }
0x5c: {  	v5 =	vld [tilespmem:s18+$0x10];
	[tilespmem:v0+s20+$0x0 ss:$0x1] =	vst.idx.msk $0xffff, v4  }
0x5d: {  	v4 =	vld [tilespmem:s18+$0x20];
	[tilespmem:v0+s20+$0x10 ss:$0x1] =	vst.idx.msk $0xffff, v6;
	s18 =	sadd.s32 $0x80, s18  }
0x5e: {  	s22 =	sadd.s32 $0xFFFFFFFF, s21;
	p0 =	por $0x1, $0x1;
	s21 =	simm.s32 $0x0;
	[tilespmem:v0+s20+$0x20 ss:$0x1] =	vst.idx.msk $0xffff, v7;
	v1 =	vld [tilespmem:s18+$0x30]  }
.LBB1_7:
0x5f: {  	p1 =	sne.s32 s22, $0x1;
	v6 =	vld [tilespmem:s18+$0xFFFFFFC0];
	[tilespmem:v0+s20+$0x30 ss:$0x1] =	vst.idx.msk $0xffff, v2  }
0x60: {  	v7 =	vld [tilespmem:s18+$0xFFFFFFD0];
	[tilespmem:v0+s20+$0x40 ss:$0x1] =	vst.idx.msk $0xffff, v3  }
0x61: {  	s21 =	sadd.s32 $0x80, s21;
	v8 =	vld [tilespmem:s18+$0xFFFFFFE0];
	[tilespmem:v0+s20+$0x50 ss:$0x1] =	vst.idx.msk $0xffff, v5  }
.Ltmp6:
0x62: {  	v2 =	vld [tilespmem:s18+$0xFFFFFFF0];
	[tilespmem:v0+s20+$0x60 ss:$0x1] =	vst.idx.msk $0xffff, v4;
	s20 =	sand.u32 $0x3F80, s21;
	(pc) =	sbr.rel @p1 .LBB1_7-.Ltmp6, $4  }
0x63: {  	v3 =	vld [tilespmem:s18+$0x0];
	[tilespmem:v0+s20+$0x70 ss:$0x1] =	vst.idx.msk $0xffff, v1  }
0x64: {  	[tilespmem:v0+s20+$0x0 ss:$0x1] =	vst.idx.msk $0xffff, v6;
	v5 =	vld [tilespmem:s18+$0x10]  }
0x65: {  	[tilespmem:v0+s20+$0x10 ss:$0x1] =	vst.idx.msk $0xffff, v7;
	v4 =	vld [tilespmem:s18+$0x20];
	s18 =	sadd.s32 $0x80, s18  }
0x66: {  	s22 =	sadd.s32 $0xFFFFFFFF, s22;
	v1 =	vld [tilespmem:s18+$0x30];
	[tilespmem:v0+s20+$0x20 ss:$0x1] =	vst.idx.msk $0xffff, v8  }
.Ltmp7:
0x67: {  	_ = 	snop;
	(pc) =	sbr.rel .LBB1_8-.Ltmp7, $1  }
0x68: {  	_ =	sdelay $0x3  }
.LBB1_6:
.Ltmp8:
0x69: {  	(pc) =	sbr.rel .LBB1_8-.Ltmp8, $2  }
0x6a: {  	_ =	sdelay $0x2  }
0x6b: {  	s21 =	simm.s32 $0x0  }
.LBB1_11:
0x6c: {  	_ =	sfence.sel $0x180000  }
0x6d: {  	s2 =	simm.s32 $0x1;
	[bflag:$0x0] =	sbarrier.arrive $0xFFFF  }
0x6e: {  	s31 =	simm.s32 $0x2;
	[sflag:s2] =	ssyncpa.u1 $0x1  }
0x6f: {  	[sflag:s31] =	ssyncpa.u1 $0x1  }
0x70: {  	p0 =	sne.s32 s0, $0x0;
	_ =	strace $0x90000047  }
0x71: {  	s0 =	sadd.s32 @!p0 $0x100000, s1;
	[bflag:$0x2] =	sbarrier.arrive $0xFFFF  }
0x72: {  	[sflag:s0] =	ssyncadd.tile.s32 @!p0 $0x1;
	_ =	shalt  }
.Lfunc_end1:
_tile_overlayer_lowered:
.L_overlay_start_2:
0x73: {  	(tag) =	ssettag $0x2  }
0x74: {  	s0 =	rddreg [dreg:$0x0];
	s2 =	stileid.u32  }
0x75: {  	s1 =	rddreg [dreg:$0x1];
	p0 =	sne.s32 s2, $0x0  }
0x76: {  	s3 =	rddreg [dreg:$0x2];
	[bflag:$0x3] =	sbarrier.arrive $0xFFFF;
	s2 =	simm.s32 @!p0 $0x1C01  }
0x77: {  	[timem:s3], [sflag:s2] =	dma.local @!p0 [hbm:s0], s1  }
0x78: {  	s0 =	simm.s32 @!p0 $0x1  }
0x79: {  	_ =	swait.ge @!p0 [sflag:s0], s1  }
0x7a: {  	s1 =	ssub.s32 @!p0 $0x0, s1;
	[sflag:s0] =	ssyncset.done @!p0 $0x0  }
0x7b: {  	[sflag:s0] =	ssyncadd.s32 @!p0 s1  }
0x7c: {  	[bflag:$0x3] =	sbarrier.arrive $0xFFFF  }
0x7d: {  	_ =	shalt  }

</sc_bundles>
